<compile_context>
chip_gen: v7x
topology: tpu7x:2x2x1
jax: 0.10.2.dev20260603
libtpu: 0.0.44.dev20260713+nightly
codegen_flags: <defaults>
</compile_context>

<pallas_src>
import jax
import jax.numpy as jnp
from jax import lax
from jax.experimental import pallas as pl
from jax.experimental.pallas import tpu as pltpu
from jax.experimental.pallas import tpu_sc as plsc

N = 10000
E = 320000
D_IN = 128
HID = 32
G = 64

NC = 2
NS = 16
NW = NC * NS

EPT = E // NW
MEGA = 1000
MCH = EPT // MEGA

N_PAD = 10240
RPT = N_PAD // NS

NBLK = 10
BLK = N_PAD // NBLK
NBLK2 = 2
BLK2 = N_PAD // NBLK2


def _deg_body(ei_hbm, zeros_hbm, ones_hbm, out_hbm, idx_v, ones_v, deg_sh,
              sem0, sem1):
    c = lax.axis_index("c")
    s = lax.axis_index("s")
    wid = c * NS + s
    estart = pl.multiple_of(wid * EPT, 8)
    pltpu.sync_copy(ei_hbm.at[1, pl.ds(estart, EPT)], idx_v)
    pltpu.sync_copy(ones_hbm, ones_v)
    pltpu.sync_copy(zeros_hbm.at[pl.ds(s * RPT, RPT)], deg_sh.at[pl.ds(s * RPT, RPT)])
    plsc.subcore_barrier()

    def sl(m):
        return deg_sh.at[idx_v.at[pl.ds(pl.multiple_of(m * MEGA, 8), MEGA)]]

    pltpu.async_copy(ones_v, sl(0), sem0, add=True)

    def body(mm, carry):
        m = mm * 2
        pltpu.async_copy(ones_v, sl(m + 1), sem1, add=True)
        pltpu.make_async_copy(ones_v, sl(m), sem0).wait()
        pltpu.async_copy(ones_v, sl(m + 2), sem0, add=True)
        pltpu.make_async_copy(ones_v, sl(m + 1), sem1).wait()
        return carry

    lax.fori_loop(0, MCH // 2 - 1, body, 0)
    m = MCH - 2
    pltpu.async_copy(ones_v, sl(m + 1), sem1, add=True)
    pltpu.make_async_copy(ones_v, sl(m), sem0).wait()
    pltpu.make_async_copy(ones_v, sl(m + 1), sem1).wait()

    plsc.subcore_barrier()
    pltpu.sync_copy(deg_sh.at[pl.ds(s * RPT, RPT)],
                    out_hbm.at[c, 0, pl.ds(s * RPT, RPT)])


_deg_kernel = pl.kernel(
    _deg_body,
    out_type=jax.ShapeDtypeStruct((NC, 1, N_PAD), jnp.float32),
    mesh=plsc.VectorSubcoreMesh(core_axis_name="c", subcore_axis_name="s"),
    scratch_types=[
        pltpu.VMEM((EPT,), jnp.int32),
        pltpu.VMEM((MEGA,), jnp.float32),
        pltpu.VMEM_SHARED((N_PAD,), jnp.float32),
        pltpu.SemaphoreType.DMA,
        pltpu.SemaphoreType.DMA,
    ],
    compiler_params=pltpu.CompilerParams(use_tc_tiling_on_sc=False),
)


def _msg_body(ei_hbm, hp_hbm, zeros_hbm, out_hbm,
              sidx_v, didx_v, rows0, rows1, hp_sh, s_sh, sem0, sem1):
    c = lax.axis_index("c")
    s = lax.axis_index("s")
    wid = c * NS + s
    estart = pl.multiple_of(wid * EPT, 8)
    pltpu.sync_copy(ei_hbm.at[0, pl.ds(estart, EPT)], sidx_v)
    pltpu.sync_copy(ei_hbm.at[1, pl.ds(estart, EPT)], didx_v)
    pltpu.sync_copy(zeros_hbm.at[pl.ds(s * RPT, RPT)], s_sh.at[pl.ds(s * RPT, RPT)])
    pltpu.sync_copy(hp_hbm.at[pl.ds(s * RPT, RPT)], hp_sh.at[pl.ds(s * RPT, RPT)])
    plsc.subcore_barrier()

    def sl(ref, m):
        return ref.at[pl.ds(pl.multiple_of(m * MEGA, 8), MEGA)]

    pltpu.async_copy(hp_sh.at[sl(sidx_v, 0)], rows0, sem0)

    def body(mm, carry):
        m = mm * 2
        pltpu.async_copy(hp_sh.at[sl(sidx_v, m + 1)], rows1, sem1)
        pltpu.make_async_copy(hp_sh.at[sl(sidx_v, m)], rows0, sem0).wait()
        pltpu.sync_copy(rows0, s_sh.at[sl(didx_v, m)], add=True)
        pltpu.async_copy(hp_sh.at[sl(sidx_v, m + 2)], rows0, sem0)
        pltpu.make_async_copy(hp_sh.at[sl(sidx_v, m + 1)], rows1, sem1).wait()
        pltpu.sync_copy(rows1, s_sh.at[sl(didx_v, m + 1)], add=True)
        return carry

    lax.fori_loop(0, MCH // 2 - 1, body, 0)
    m = MCH - 2
    pltpu.async_copy(hp_sh.at[sl(sidx_v, m + 1)], rows1, sem1)
    pltpu.make_async_copy(hp_sh.at[sl(sidx_v, m)], rows0, sem0).wait()
    pltpu.sync_copy(rows0, s_sh.at[sl(didx_v, m)], add=True)
    pltpu.make_async_copy(hp_sh.at[sl(sidx_v, m + 1)], rows1, sem1).wait()
    pltpu.sync_copy(rows1, s_sh.at[sl(didx_v, m + 1)], add=True)

    plsc.subcore_barrier()
    pltpu.sync_copy(s_sh.at[pl.ds(s * RPT, RPT)], out_hbm.at[c, pl.ds(s * RPT, RPT)])


_msg_kernel = pl.kernel(
    _msg_body,
    out_type=jax.ShapeDtypeStruct((NC, N_PAD, HID), jnp.float32),
    mesh=plsc.VectorSubcoreMesh(core_axis_name="c", subcore_axis_name="s"),
    scratch_types=[
        pltpu.VMEM((EPT,), jnp.int32),
        pltpu.VMEM((EPT,), jnp.int32),
        pltpu.VMEM((MEGA, HID), jnp.float32),
        pltpu.VMEM((MEGA, HID), jnp.float32),
        pltpu.VMEM_SHARED((N_PAD, HID), jnp.float32),
        pltpu.VMEM_SHARED((N_PAD, HID), jnp.float32),
        pltpu.SemaphoreType.DMA,
        pltpu.SemaphoreType.DMA,
    ],
    compiler_params=pltpu.CompilerParams(use_tc_tiling_on_sc=False),
)


def _tcmm_body(x_ref, w1_ref, h_ref):
    h_ref[...] = jnp.dot(x_ref[...], w1_ref[...],
                         preferred_element_type=jnp.float32)


def _tcmm(xp, W1):
    return pl.pallas_call(
        _tcmm_body,
        grid=(NBLK,),
        in_specs=[
            pl.BlockSpec((BLK, D_IN), lambda i: (i, 0)),
            pl.BlockSpec((D_IN, HID), lambda i: (0, 0)),
        ],
        out_specs=pl.BlockSpec((BLK, HID), lambda i: (i, 0)),
        out_shape=jax.ShapeDtypeStruct((N_PAD, HID), jnp.float32),
    )(xp, W1)


def _tcnorm_body(h_ref, degp_ref, hp_ref, dinv_ref):
    deg = degp_ref[0, 0] + degp_ref[1, 0] + 1.0
    dinv = lax.rsqrt(deg)[:, None]
    hp_ref[...] = h_ref[...] * dinv
    dinv_ref[...] = dinv


def _tcnorm(h, degp):
    return pl.pallas_call(
        _tcnorm_body,
        grid=(NBLK2,),
        in_specs=[
            pl.BlockSpec((BLK2, HID), lambda i: (i, 0)),
            pl.BlockSpec((NC, 1, BLK2), lambda i: (0, 0, i)),
        ],
        out_specs=[
            pl.BlockSpec((BLK2, HID), lambda i: (i, 0)),
            pl.BlockSpec((BLK2, 1), lambda i: (i, 0)),
        ],
        out_shape=[
            jax.ShapeDtypeStruct((N_PAD, HID), jnp.float32),
            jax.ShapeDtypeStruct((N_PAD, 1), jnp.float32),
        ],
    )(h, degp)


def _tc2_body(sp_ref, hp_ref, dinv_ref, batch_ref, b1_ref, w2_ref, b2_ref,
              out_ref, sums_sc, cnt_sc):
    i = pl.program_id(0)

    @pl.when(i == 0)
    def _init():
        sums_sc[...] = jnp.zeros_like(sums_sc)
        cnt_sc[...] = jnp.zeros_like(cnt_sc)

    s_tot = sp_ref[0] + sp_ref[1]
    x1 = jnp.maximum(dinv_ref[...] * (s_tot + hp_ref[...]) + b1_ref[...], 0.0)
    b = jnp.reshape(batch_ref[...], (1, BLK2))
    onehot = (lax.broadcasted_iota(jnp.int32, (G, BLK2), 0) == b).astype(jnp.float32)
    sums_sc[...] += jnp.dot(onehot, x1, preferred_element_type=jnp.float32)
    cnt_sc[...] += jnp.sum(onehot, axis=1, keepdims=True)

    @pl.when(i == NBLK2 - 1)
    def _final():
        mean = sums_sc[...] / jnp.maximum(cnt_sc[...], 1.0)
        z = jnp.dot(mean, w2_ref[...], preferred_element_type=jnp.float32) + b2_ref[...]
        out_ref[...] = jax.nn.sigmoid(z)


def _tc2(sp, hp, dinv, batch_pad, b1, W2, b2):
    return pl.pallas_call(
        _tc2_body,
        grid=(NBLK2,),
        in_specs=[
            pl.BlockSpec((NC, BLK2, HID), lambda i: (0, i, 0)),
            pl.BlockSpec((BLK2, HID), lambda i: (i, 0)),
            pl.BlockSpec((BLK2, 1), lambda i: (i, 0)),
            pl.BlockSpec((BLK2,), lambda i: (i,)),
            pl.BlockSpec((HID,), lambda i: (0,)),
            pl.BlockSpec((HID, 1), lambda i: (0, 0)),
            pl.BlockSpec((1,), lambda i: (0,)),
        ],
        out_specs=pl.BlockSpec((G, 1), lambda i: (0, 0)),
        out_shape=jax.ShapeDtypeStruct((G, 1), jnp.float32),
        scratch_shapes=[
            pltpu.VMEM((G, HID), jnp.float32),
            pltpu.VMEM((G, 1), jnp.float32),
        ],
    )(sp, hp, dinv, batch_pad, b1, W2, b2)


def kernel(x, edge_index, batch, W1, b1, W2, b2):
    ei = edge_index.astype(jnp.int32)

    xp = jnp.pad(x, ((0, N_PAD - N), (0, 0)))
    batch_pad = jnp.concatenate(
        [batch.astype(jnp.int32), jnp.full((N_PAD - N,), G, jnp.int32)])

    zeros1 = jnp.zeros((N_PAD,), jnp.float32)
    zeros2 = jnp.zeros((N_PAD, HID), jnp.float32)
    ones_c = jnp.ones((MEGA,), jnp.float32)

    degp = _deg_kernel(ei, zeros1, ones_c)
    h = _tcmm(xp, W1)
    hp, dinv = _tcnorm(h, degp)
    sp = _msg_kernel(ei, hp, zeros2)
    out = _tc2(sp, hp, dinv, batch_pad, b1, W2, b2)
    return out.reshape(-1)

# --- scband reference (transcript-rebuilt; emitter-appended) ---
"""Pipeline reference for scband-syntax-gcn-12506944766171 (READ-ONLY COPY).

The authoritative reference and input builder live on the scoring server;
editing this copy changes nothing except your own understanding.
"""

import jax, jax.numpy as jnp
import numpy as np

N = 10000
E = 320000
D_IN = 128
HID = 32
G = 64

def setup_inputs(seed: int = 0) -> dict:
    key = jax.random.key(seed)
    k1, k2, k3, k4, k5, k6, k7 = jax.random.split(key, 7)
    x = jax.random.normal(k1, (N, D_IN), dtype=jnp.float32)
    edge_index = jax.random.randint(k2, (2, E), 0, N, dtype=jnp.int64)
    batch = jnp.sort(jax.random.randint(k3, (N,), 0, G, dtype=jnp.int64))
    # GCNConv params (glorot-ish init)
    W1 = jax.random.normal(k4, (D_IN, HID), dtype=jnp.float32) * (1.0 / np.sqrt(D_IN))
    b1 = jnp.zeros((HID,), dtype=jnp.float32)
    # final linear hid -> 1
    W2 = jax.random.normal(k5, (HID, 1), dtype=jnp.float32) * (1.0 / np.sqrt(HID))
    b2 = jnp.zeros((1,), dtype=jnp.float32)
    return {"x": x, "edge_index": edge_index, "batch": batch, "W1": W1, "b1": b1, "W2": W2, "b2": b2}


def reference(x, edge_index, batch, W1, b1, W2, b2):
    # --- GCNConv(in_dim, hid): x' = D^{-1/2}(A+I)D^{-1/2} X W + b ---
    h = x @ W1  # [N, HID]
    loop = jnp.arange(N, dtype=edge_index.dtype)
    ei = jnp.concatenate([edge_index, jnp.stack([loop, loop])], axis=1)  # add self-loops
    src, dst = ei[0], ei[1]
    ones = jnp.ones((ei.shape[1],), dtype=jnp.float32)
    deg = jax.ops.segment_sum(ones, dst, num_segments=N)  # in-degree incl. self-loop
    dinv = jnp.where(deg > 0, 1.0 / jnp.sqrt(deg), 0.0)
    norm = dinv[src] * dinv[dst]  # [E+N]
    msg = h[src] * norm[:, None]  # gather + scale
    agg = jax.ops.segment_sum(msg, dst, num_segments=N) + b1  # scatter-add
    x1 = jax.nn.relu(agg)  # [N, HID]
    # --- global_mean_pool over batch assignment ---
    sums = jax.ops.segment_sum(x1, batch, num_segments=G)  # [G, HID]
    cnt = jax.ops.segment_sum(jnp.ones((N,), dtype=jnp.float32), batch, num_segments=G)
    mean = sums / jnp.maximum(cnt, 1.0)[:, None]
    # --- final linear + sigmoid ---
    out = jax.nn.sigmoid(mean @ W2 + b2).reshape(-1)  # [G]
    return out

if __name__ == "__main__":
    import jax
    _d = setup_inputs()
    print(jax.jit(kernel)(*tuple(_d.values())))

</pallas_src>

<mosaic_0001>
#map = affine_map<(d0, d1) -> (0, 0)>
#map1 = affine_map<(d0, d1) -> (0)>
#map2 = affine_map<(d0, d1) -> (0, 0, 0)>
module attributes {stable_mosaic.version = 14 : i64} {
  func.func @_deg_body(%arg0: i32, %arg1: i32, %arg2: memref<2x320000xi32, #tpu.memory_space<hbm>>, %arg3: memref<10240xf32, #tpu.memory_space<hbm>>, %arg4: memref<1000xf32, #tpu.memory_space<hbm>>, %arg5: memref<2x1x10240xf32, #tpu.memory_space<hbm>>, %arg6: memref<10000xi32, #tpu.memory_space<vmem>>, %arg7: memref<1000xf32, #tpu.memory_space<vmem>>, %arg8: memref<10240xf32, #tpu.memory_space<vmem_shared>>, %arg9: memref<!tpu.dma_semaphore, #tpu.memory_space<semaphore_mem>>, %arg10: memref<!tpu.dma_semaphore, #tpu.memory_space<semaphore_mem>>) attributes {dimension_semantics = [#tpu.dimension_semantics<core_parallel>, #tpu.dimension_semantics<subcore_parallel>], iteration_bounds = array<i64: 2, 16>, scalar_prefetch = 0 : i64, scratch_operands = 5 : i64, tpu.core_type = #tpu.core_type<sc_vector_subcore>, window_params = [{transform_indices = #map}, {transform_indices = #map1}, {transform_indices = #map1}, {transform_indices = #map2}]} {
    %mul3A = arith.constant 16 : i32
    %mul3A_0 = arith.muli %arg0, %mul3A : i32
    %add3A = arith.addi %mul3A_0, %arg1 : i32
    %mul3A_1 = arith.constant 10000 : i32
    %mul3A_2 = arith.muli %add3A, %mul3A_1 : i32
    %multiple_of3A = tpu.assume_multiple %mul3A_2, 8 : i32
    %run_scoped3A = arith.constant 1 : i32
    "tpu.region"() ({
      %run_scoped3A_36 = tpu.sem_alloc : memref<!tpu.dma_semaphore, #tpu.memory_space<semaphore_mem>>
      %dma_start3A_37 = tpu.memref_slice %arg2[%run_scoped3A, %multiple_of3A] : memref<2x320000xi32, #tpu.memory_space<hbm>> -> memref<1x10000xi32, #tpu.memory_space<hbm>>
      %dma_start3A_38 = tpu.memref_squeeze %dma_start3A_37 : memref<1x10000xi32, #tpu.memory_space<hbm>> -> memref<10000xi32, #tpu.memory_space<hbm>>
      %dma_start3A_39 = tpu.memref_slice %arg2[%run_scoped3A, %multiple_of3A] : memref<2x320000xi32, #tpu.memory_space<hbm>> -> memref<1x10000xi32, #tpu.memory_space<hbm>>
      %dma_start3A_40 = tpu.memref_squeeze %dma_start3A_39 : memref<1x10000xi32, #tpu.memory_space<hbm>> -> memref<10000xi32, #tpu.memory_space<hbm>>
      tpu.enqueue_dma source(%dma_start3A_40 : memref<10000xi32, #tpu.memory_space<hbm>>) target(%arg6 : memref<10000xi32, #tpu.memory_space<vmem>>) target_semaphore(%run_scoped3A_36 : memref<!tpu.dma_semaphore, #tpu.memory_space<semaphore_mem>>)
      %dma_wait3A_41 = tpu.memref_slice %arg2[%run_scoped3A, %multiple_of3A] : memref<2x320000xi32, #tpu.memory_space<hbm>> -> memref<1x10000xi32, #tpu.memory_space<hbm>>
      %dma_wait3A_42 = tpu.memref_squeeze %dma_wait3A_41 : memref<1x10000xi32, #tpu.memory_space<hbm>> -> memref<10000xi32, #tpu.memory_space<hbm>>
      %dma_wait3A_43 = tpu.memref_slice %arg2[%run_scoped3A, %multiple_of3A] : memref<2x320000xi32, #tpu.memory_space<hbm>> -> memref<1x10000xi32, #tpu.memory_space<hbm>>
      %dma_wait3A_44 = tpu.memref_squeeze %dma_wait3A_43 : memref<1x10000xi32, #tpu.memory_space<hbm>> -> memref<10000xi32, #tpu.memory_space<hbm>>
      tpu.wait_dma2 semaphore(%run_scoped3A_36 : memref<!tpu.dma_semaphore, #tpu.memory_space<semaphore_mem>>) src(%dma_wait3A_44 : memref<10000xi32, #tpu.memory_space<hbm>>) dst(%arg6 : memref<10000xi32, #tpu.memory_space<vmem>>)
      tpu.yield
    }) : () -> ()
    "tpu.region"() ({
      %run_scoped3A_36 = tpu.sem_alloc : memref<!tpu.dma_semaphore, #tpu.memory_space<semaphore_mem>>
      tpu.enqueue_dma source(%arg4 : memref<1000xf32, #tpu.memory_space<hbm>>) target(%arg7 : memref<1000xf32, #tpu.memory_space<vmem>>) target_semaphore(%run_scoped3A_36 : memref<!tpu.dma_semaphore, #tpu.memory_space<semaphore_mem>>)
      tpu.wait_dma2 semaphore(%run_scoped3A_36 : memref<!tpu.dma_semaphore, #tpu.memory_space<semaphore_mem>>) src(%arg4 : memref<1000xf32, #tpu.memory_space<hbm>>) dst(%arg7 : memref<1000xf32, #tpu.memory_space<vmem>>)
      tpu.yield
    }) : () -> ()
    %mul3A_3 = arith.constant 640 : i32
    %mul3A_4 = arith.muli %arg1, %mul3A_3 : i32
    %mul3A_5 = arith.constant 640 : i32
    %mul3A_6 = arith.muli %arg1, %mul3A_5 : i32
    "tpu.region"() ({
      %run_scoped3A_36 = tpu.sem_alloc : memref<!tpu.dma_semaphore, #tpu.memory_space<semaphore_mem>>
      %dma_start3A_37 = tpu.memref_slice %arg8[%mul3A_6] : memref<10240xf32, #tpu.memory_space<vmem_shared>> -> memref<640xf32, #tpu.memory_space<vmem_shared>>
      %dma_start3A_38 = tpu.memref_slice %arg3[%mul3A_4] : memref<10240xf32, #tpu.memory_space<hbm>> -> memref<640xf32, #tpu.memory_space<hbm>>
      tpu.enqueue_dma source(%dma_start3A_38 : memref<640xf32, #tpu.memory_space<hbm>>) target(%dma_start3A_37 : memref<640xf32, #tpu.memory_space<vmem_shared>>) target_semaphore(%run_scoped3A_36 : memref<!tpu.dma_semaphore, #tpu.memory_space<semaphore_mem>>)
      %dma_wait3A_39 = tpu.memref_slice %arg8[%mul3A_6] : memref<10240xf32, #tpu.memory_space<vmem_shared>> -> memref<640xf32, #tpu.memory_space<vmem_shared>>
      %dma_wait3A_40 = tpu.memref_slice %arg3[%mul3A_4] : memref<10240xf32, #tpu.memory_space<hbm>> -> memref<640xf32, #tpu.memory_space<hbm>>
      tpu.wait_dma2 semaphore(%run_scoped3A_36 : memref<!tpu.dma_semaphore, #tpu.memory_space<semaphore_mem>>) src(%dma_wait3A_40 : memref<640xf32, #tpu.memory_space<hbm>>) dst(%dma_wait3A_39 : memref<640xf32, #tpu.memory_space<vmem_shared>>)
      tpu.yield
    }) : () -> ()
    %barrier3A = arith.constant 0 : index
    tpu.barrier barrier_id(%barrier3A)
    %multiple_of3A_7 = arith.constant 0 : i32
    %multiple_of3A_8 = tpu.assume_multiple %multiple_of3A_7, 8 : i32
    %dma_start3A = tpu.memref_slice %arg6[%multiple_of3A_8] : memref<10000xi32, #tpu.memory_space<vmem>> -> memref<1000xi32, #tpu.memory_space<vmem>>
    %dma_start3A_9 = arith.constant 0 : i32
    %dma_start3A_10 = tpu.memref_slice %arg8[%dma_start3A_9] : memref<10240xf32, #tpu.memory_space<vmem_shared>> -> memref<10240xf32, #tpu.memory_space<vmem_shared>>
    tpu.enqueue_indirect_dma source(%arg7 : memref<1000xf32, #tpu.memory_space<vmem>>) target(%dma_start3A_10 : memref<10240xf32, #tpu.memory_space<vmem_shared>>) offsets(%dma_start3A : memref<1000xi32, #tpu.memory_space<vmem>>) semaphore(%arg9 : memref<!tpu.dma_semaphore, #tpu.memory_space<semaphore_mem>>) {add = true}
    %scan3A = arith.constant 0 : i32
    %scan3A_11 = arith.constant 0 : i32
    %scan3A_12 = arith.constant 4 : i32
    %scan3A_13 = arith.addi %scan3A_11, %scan3A_12 : i32
    %scan3A_14 = arith.constant 1 : i32
    scf.for %scan3A_36 = %scan3A_11 to %scan3A_13 step %scan3A_14  : i32 {
      %mul3A_37 = arith.constant 2 : i32
      %mul3A_38 = arith.muli %scan3A_36, %mul3A_37 : i32
      %add3A_39 = arith.constant 1 : i32
      %add3A_40 = arith.addi %mul3A_38, %add3A_39 : i32
      %mul3A_41 = arith.constant 1000 : i32
      %mul3A_42 = arith.muli %add3A_40, %mul3A_41 : i32
      %multiple_of3A_43 = tpu.assume_multiple %mul3A_42, 8 : i32
      %dma_start3A_44 = tpu.memref_slice %arg6[%multiple_of3A_43] : memref<10000xi32, #tpu.memory_space<vmem>> -> memref<1000xi32, #tpu.memory_space<vmem>>
      %dma_start3A_45 = arith.constant 0 : i32
      %dma_start3A_46 = tpu.memref_slice %arg8[%dma_start3A_45] : memref<10240xf32, #tpu.memory_space<vmem_shared>> -> memref<10240xf32, #tpu.memory_space<vmem_shared>>
      tpu.enqueue_indirect_dma source(%arg7 : memref<1000xf32, #tpu.memory_space<vmem>>) target(%dma_start3A_46 : memref<10240xf32, #tpu.memory_space<vmem_shared>>) offsets(%dma_start3A_44 : memref<1000xi32, #tpu.memory_space<vmem>>) semaphore(%arg10 : memref<!tpu.dma_semaphore, #tpu.memory_space<semaphore_mem>>) {add = true}
      %mul3A_47 = arith.constant 1000 : i32
      %mul3A_48 = arith.muli %mul3A_38, %mul3A_47 : i32
      %multiple_of3A_49 = tpu.assume_multiple %mul3A_48, 8 : i32
      %dma_wait3A_50 = tpu.memref_slice %arg6[%multiple_of3A_49] : memref<10000xi32, #tpu.memory_space<vmem>> -> memref<1000xi32, #tpu.memory_space<vmem>>
      %dma_wait3A_51 = arith.constant 0 : i32
      %dma_wait3A_52 = tpu.memref_slice %arg8[%dma_wait3A_51] : memref<10240xf32, #tpu.memory_space<vmem_shared>> -> memref<10240xf32, #tpu.memory_space<vmem_shared>>
      tpu.wait_indirect_dma semaphore(%arg9 : memref<!tpu.dma_semaphore, #tpu.memory_space<semaphore_mem>>) src(%arg7 : memref<1000xf32, #tpu.memory_space<vmem>>) dst(%dma_wait3A_52 : memref<10240xf32, #tpu.memory_space<vmem_shared>>)
      %add3A_53 = arith.constant 2 : i32
      %add3A_54 = arith.addi %mul3A_38, %add3A_53 : i32
      %mul3A_55 = arith.constant 1000 : i32
      %mul3A_56 = arith.muli %add3A_54, %mul3A_55 : i32
      %multiple_of3A_57 = tpu.assume_multiple %mul3A_56, 8 : i32
      %dma_start3A_58 = tpu.memref_slice %arg6[%multiple_of3A_57] : memref<10000xi32, #tpu.memory_space<vmem>> -> memref<1000xi32, #tpu.memory_space<vmem>>
      %dma_start3A_59 = arith.constant 0 : i32
      %dma_start3A_60 = tpu.memref_slice %arg8[%dma_start3A_59] : memref<10240xf32, #tpu.memory_space<vmem_shared>> -> memref<10240xf32, #tpu.memory_space<vmem_shared>>
      tpu.enqueue_indirect_dma source(%arg7 : memref<1000xf32, #tpu.memory_space<vmem>>) target(%dma_start3A_60 : memref<10240xf32, #tpu.memory_space<vmem_shared>>) offsets(%dma_start3A_58 : memref<1000xi32, #tpu.memory_space<vmem>>) semaphore(%arg9 : memref<!tpu.dma_semaphore, #tpu.memory_space<semaphore_mem>>) {add = true}
      %add3A_61 = arith.constant 1 : i32
      %add3A_62 = arith.addi %mul3A_38, %add3A_61 : i32
      %mul3A_63 = arith.constant 1000 : i32
      %mul3A_64 = arith.muli %add3A_62, %mul3A_63 : i32
      %multiple_of3A_65 = tpu.assume_multiple %mul3A_64, 8 : i32
      %dma_wait3A_66 = tpu.memref_slice %arg6[%multiple_of3A_65] : memref<10000xi32, #tpu.memory_space<vmem>> -> memref<1000xi32, #tpu.memory_space<vmem>>
      %dma_wait3A_67 = arith.constant 0 : i32
      %dma_wait3A_68 = tpu.memref_slice %arg8[%dma_wait3A_67] : memref<10240xf32, #tpu.memory_space<vmem_shared>> -> memref<10240xf32, #tpu.memory_space<vmem_shared>>
      tpu.wait_indirect_dma semaphore(%arg10 : memref<!tpu.dma_semaphore, #tpu.memory_space<semaphore_mem>>) src(%arg7 : memref<1000xf32, #tpu.memory_space<vmem>>) dst(%dma_wait3A_68 : memref<10240xf32, #tpu.memory_space<vmem_shared>>)
    }
    %scan3A_15 = arith.constant 4 : i32
    %multiple_of3A_16 = arith.constant 9000 : i32
    %multiple_of3A_17 = tpu.assume_multiple %multiple_of3A_16, 8 : i32
    %dma_start3A_18 = tpu.memref_slice %arg6[%multiple_of3A_17] : memref<10000xi32, #tpu.memory_space<vmem>> -> memref<1000xi32, #tpu.memory_space<vmem>>
    %dma_start3A_19 = arith.constant 0 : i32
    %dma_start3A_20 = tpu.memref_slice %arg8[%dma_start3A_19] : memref<10240xf32, #tpu.memory_space<vmem_shared>> -> memref<10240xf32, #tpu.memory_space<vmem_shared>>
    tpu.enqueue_indirect_dma source(%arg7 : memref<1000xf32, #tpu.memory_space<vmem>>) target(%dma_start3A_20 : memref<10240xf32, #tpu.memory_space<vmem_shared>>) offsets(%dma_start3A_18 : memref<1000xi32, #tpu.memory_space<vmem>>) semaphore(%arg10 : memref<!tpu.dma_semaphore, #tpu.memory_space<semaphore_mem>>) {add = true}
    %multiple_of3A_21 = arith.constant 8000 : i32
    %multiple_of3A_22 = tpu.assume_multiple %multiple_of3A_21, 8 : i32
    %dma_wait3A = tpu.memref_slice %arg6[%multiple_of3A_22] : memref<10000xi32, #tpu.memory_space<vmem>> -> memref<1000xi32, #tpu.memory_space<vmem>>
    %dma_wait3A_23 = arith.constant 0 : i32
    %dma_wait3A_24 = tpu.memref_slice %arg8[%dma_wait3A_23] : memref<10240xf32, #tpu.memory_space<vmem_shared>> -> memref<10240xf32, #tpu.memory_space<vmem_shared>>
    tpu.wait_indirect_dma semaphore(%arg9 : memref<!tpu.dma_semaphore, #tpu.memory_space<semaphore_mem>>) src(%arg7 : memref<1000xf32, #tpu.memory_space<vmem>>) dst(%dma_wait3A_24 : memref<10240xf32, #tpu.memory_space<vmem_shared>>)
    %multiple_of3A_25 = arith.constant 9000 : i32
    %multiple_of3A_26 = tpu.assume_multiple %multiple_of3A_25, 8 : i32
    %dma_wait3A_27 = tpu.memref_slice %arg6[%multiple_of3A_26] : memref<10000xi32, #tpu.memory_space<vmem>> -> memref<1000xi32, #tpu.memory_space<vmem>>
    %dma_wait3A_28 = arith.constant 0 : i32
    %dma_wait3A_29 = tpu.memref_slice %arg8[%dma_wait3A_28] : memref<10240xf32, #tpu.memory_space<vmem_shared>> -> memref<10240xf32, #tpu.memory_space<vmem_shared>>
    tpu.wait_indirect_dma semaphore(%arg10 : memref<!tpu.dma_semaphore, #tpu.memory_space<semaphore_mem>>) src(%arg7 : memref<1000xf32, #tpu.memory_space<vmem>>) dst(%dma_wait3A_29 : memref<10240xf32, #tpu.memory_space<vmem_shared>>)
    %barrier3A_30 = arith.constant 0 : index
    tpu.barrier barrier_id(%barrier3A_30)
    %mul3A_31 = arith.constant 640 : i32
    %mul3A_32 = arith.muli %arg1, %mul3A_31 : i32
    %mul3A_33 = arith.constant 640 : i32
    %mul3A_34 = arith.muli %arg1, %mul3A_33 : i32
    %run_scoped3A_35 = arith.constant 0 : i32
    "tpu.region"() ({
      %run_scoped3A_36 = tpu.sem_alloc : memref<!tpu.dma_semaphore, #tpu.memory_space<semaphore_mem>>
      %dma_start3A_37 = tpu.memref_slice %arg5[%arg0, %run_scoped3A_35, %mul3A_34] : memref<2x1x10240xf32, #tpu.memory_space<hbm>> -> memref<1x1x640xf32, #tpu.memory_space<hbm>>
      %dma_start3A_38 = tpu.memref_squeeze %dma_start3A_37 : memref<1x1x640xf32, #tpu.memory_space<hbm>> -> memref<640xf32, #tpu.memory_space<hbm>>
      %dma_start3A_39 = tpu.memref_slice %arg8[%mul3A_32] : memref<10240xf32, #tpu.memory_space<vmem_shared>> -> memref<640xf32, #tpu.memory_space<vmem_shared>>
      tpu.enqueue_dma source(%dma_start3A_39 : memref<640xf32, #tpu.memory_space<vmem_shared>>) target(%dma_start3A_38 : memref<640xf32, #tpu.memory_space<hbm>>) target_semaphore(%run_scoped3A_36 : memref<!tpu.dma_semaphore, #tpu.memory_space<semaphore_mem>>)
      %dma_wait3A_40 = tpu.memref_slice %arg5[%arg0, %run_scoped3A_35, %mul3A_34] : memref<2x1x10240xf32, #tpu.memory_space<hbm>> -> memref<1x1x640xf32, #tpu.memory_space<hbm>>
      %dma_wait3A_41 = tpu.memref_squeeze %dma_wait3A_40 : memref<1x1x640xf32, #tpu.memory_space<hbm>> -> memref<640xf32, #tpu.memory_space<hbm>>
      %dma_wait3A_42 = tpu.memref_slice %arg8[%mul3A_32] : memref<10240xf32, #tpu.memory_space<vmem_shared>> -> memref<640xf32, #tpu.memory_space<vmem_shared>>
      tpu.wait_dma2 semaphore(%run_scoped3A_36 : memref<!tpu.dma_semaphore, #tpu.memory_space<semaphore_mem>>) src(%dma_wait3A_42 : memref<640xf32, #tpu.memory_space<vmem_shared>>) dst(%dma_wait3A_41 : memref<640xf32, #tpu.memory_space<hbm>>)
      tpu.yield
    }) : () -> ()
    return
  }
}

#map = affine_map<(d0, d1) -> (0, 0)>
#map1 = affine_map<(d0, d1) -> (0, 0, 0)>
module attributes {stable_mosaic.version = 14 : i64} {
  func.func @_msg_body(%arg0: i32, %arg1: i32, %arg2: memref<2x320000xi32, #tpu.memory_space<hbm>>, %arg3: memref<10240x32xf32, #tpu.memory_space<hbm>>, %arg4: memref<10240x32xf32, #tpu.memory_space<hbm>>, %arg5: memref<2x10240x32xf32, #tpu.memory_space<hbm>>, %arg6: memref<10000xi32, #tpu.memory_space<vmem>>, %arg7: memref<10000xi32, #tpu.memory_space<vmem>>, %arg8: memref<1000x32xf32, #tpu.memory_space<vmem>>, %arg9: memref<1000x32xf32, #tpu.memory_space<vmem>>, %arg10: memref<10240x32xf32, #tpu.memory_space<vmem_shared>>, %arg11: memref<10240x32xf32, #tpu.memory_space<vmem_shared>>, %arg12: memref<!tpu.dma_semaphore, #tpu.memory_space<semaphore_mem>>, %arg13: memref<!tpu.dma_semaphore, #tpu.memory_space<semaphore_mem>>) attributes {dimension_semantics = [#tpu.dimension_semantics<core_parallel>, #tpu.dimension_semantics<subcore_parallel>], iteration_bounds = array<i64: 2, 16>, scalar_prefetch = 0 : i64, scratch_operands = 8 : i64, tpu.core_type = #tpu.core_type<sc_vector_subcore>, window_params = [{transform_indices = #map}, {transform_indices = #map}, {transform_indices = #map}, {transform_indices = #map1}]} {
    %mul3A = arith.constant 16 : i32
    %mul3A_0 = arith.muli %arg0, %mul3A : i32
    %add3A = arith.addi %mul3A_0, %arg1 : i32
    %mul3A_1 = arith.constant 10000 : i32
    %mul3A_2 = arith.muli %add3A, %mul3A_1 : i32
    %multiple_of3A = tpu.assume_multiple %mul3A_2, 8 : i32
    %run_scoped3A = arith.constant 0 : i32
    "tpu.region"() ({
      %run_scoped3A_48 = tpu.sem_alloc : memref<!tpu.dma_semaphore, #tpu.memory_space<semaphore_mem>>
      %dma_start3A_49 = tpu.memref_slice %arg2[%run_scoped3A, %multiple_of3A] : memref<2x320000xi32, #tpu.memory_space<hbm>> -> memref<1x10000xi32, #tpu.memory_space<hbm>>
      %dma_start3A_50 = tpu.memref_squeeze %dma_start3A_49 : memref<1x10000xi32, #tpu.memory_space<hbm>> -> memref<10000xi32, #tpu.memory_space<hbm>>
      %dma_start3A_51 = tpu.memref_slice %arg2[%run_scoped3A, %multiple_of3A] : memref<2x320000xi32, #tpu.memory_space<hbm>> -> memref<1x10000xi32, #tpu.memory_space<hbm>>
      %dma_start3A_52 = tpu.memref_squeeze %dma_start3A_51 : memref<1x10000xi32, #tpu.memory_space<hbm>> -> memref<10000xi32, #tpu.memory_space<hbm>>
      tpu.enqueue_dma source(%dma_start3A_52 : memref<10000xi32, #tpu.memory_space<hbm>>) target(%arg6 : memref<10000xi32, #tpu.memory_space<vmem>>) target_semaphore(%run_scoped3A_48 : memref<!tpu.dma_semaphore, #tpu.memory_space<semaphore_mem>>)
      %dma_wait3A_53 = tpu.memref_slice %arg2[%run_scoped3A, %multiple_of3A] : memref<2x320000xi32, #tpu.memory_space<hbm>> -> memref<1x10000xi32, #tpu.memory_space<hbm>>
      %dma_wait3A_54 = tpu.memref_squeeze %dma_wait3A_53 : memref<1x10000xi32, #tpu.memory_space<hbm>> -> memref<10000xi32, #tpu.memory_space<hbm>>
      %dma_wait3A_55 = tpu.memref_slice %arg2[%run_scoped3A, %multiple_of3A] : memref<2x320000xi32, #tpu.memory_space<hbm>> -> memref<1x10000xi32, #tpu.memory_space<hbm>>
      %dma_wait3A_56 = tpu.memref_squeeze %dma_wait3A_55 : memref<1x10000xi32, #tpu.memory_space<hbm>> -> memref<10000xi32, #tpu.memory_space<hbm>>
      tpu.wait_dma2 semaphore(%run_scoped3A_48 : memref<!tpu.dma_semaphore, #tpu.memory_space<semaphore_mem>>) src(%dma_wait3A_56 : memref<10000xi32, #tpu.memory_space<hbm>>) dst(%arg6 : memref<10000xi32, #tpu.memory_space<vmem>>)
      tpu.yield
    }) : () -> ()
    %run_scoped3A_3 = arith.constant 1 : i32
    "tpu.region"() ({
      %run_scoped3A_48 = tpu.sem_alloc : memref<!tpu.dma_semaphore, #tpu.memory_space<semaphore_mem>>
      %dma_start3A_49 = tpu.memref_slice %arg2[%run_scoped3A_3, %multiple_of3A] : memref<2x320000xi32, #tpu.memory_space<hbm>> -> memref<1x10000xi32, #tpu.memory_space<hbm>>
      %dma_start3A_50 = tpu.memref_squeeze %dma_start3A_49 : memref<1x10000xi32, #tpu.memory_space<hbm>> -> memref<10000xi32, #tpu.memory_space<hbm>>
      %dma_start3A_51 = tpu.memref_slice %arg2[%run_scoped3A_3, %multiple_of3A] : memref<2x320000xi32, #tpu.memory_space<hbm>> -> memref<1x10000xi32, #tpu.memory_space<hbm>>
      %dma_start3A_52 = tpu.memref_squeeze %dma_start3A_51 : memref<1x10000xi32, #tpu.memory_space<hbm>> -> memref<10000xi32, #tpu.memory_space<hbm>>
      tpu.enqueue_dma source(%dma_start3A_52 : memref<10000xi32, #tpu.memory_space<hbm>>) target(%arg7 : memref<10000xi32, #tpu.memory_space<vmem>>) target_semaphore(%run_scoped3A_48 : memref<!tpu.dma_semaphore, #tpu.memory_space<semaphore_mem>>)
      %dma_wait3A_53 = tpu.memref_slice %arg2[%run_scoped3A_3, %multiple_of3A] : memref<2x320000xi32, #tpu.memory_space<hbm>> -> memref<1x10000xi32, #tpu.memory_space<hbm>>
      %dma_wait3A_54 = tpu.memref_squeeze %dma_wait3A_53 : memref<1x10000xi32, #tpu.memory_space<hbm>> -> memref<10000xi32, #tpu.memory_space<hbm>>
      %dma_wait3A_55 = tpu.memref_slice %arg2[%run_scoped3A_3, %multiple_of3A] : memref<2x320000xi32, #tpu.memory_space<hbm>> -> memref<1x10000xi32, #tpu.memory_space<hbm>>
      %dma_wait3A_56 = tpu.memref_squeeze %dma_wait3A_55 : memref<1x10000xi32, #tpu.memory_space<hbm>> -> memref<10000xi32, #tpu.memory_space<hbm>>
      tpu.wait_dma2 semaphore(%run_scoped3A_48 : memref<!tpu.dma_semaphore, #tpu.memory_space<semaphore_mem>>) src(%dma_wait3A_56 : memref<10000xi32, #tpu.memory_space<hbm>>) dst(%arg7 : memref<10000xi32, #tpu.memory_space<vmem>>)
      tpu.yield
    }) : () -> ()
    %mul3A_4 = arith.constant 640 : i32
    %mul3A_5 = arith.muli %arg1, %mul3A_4 : i32
    %mul3A_6 = arith.constant 640 : i32
    %mul3A_7 = arith.muli %arg1, %mul3A_6 : i32
    "tpu.region"() ({
      %run_scoped3A_48 = tpu.sem_alloc : memref<!tpu.dma_semaphore, #tpu.memory_space<semaphore_mem>>
      %dma_start3A_49 = arith.constant 0 : i32
      %dma_start3A_50 = tpu.memref_slice %arg11[%mul3A_7, %dma_start3A_49] : memref<10240x32xf32, #tpu.memory_space<vmem_shared>> -> memref<640x32xf32, #tpu.memory_space<vmem_shared>>
      %dma_start3A_51 = arith.constant 0 : i32
      %dma_start3A_52 = tpu.memref_slice %arg4[%mul3A_5, %dma_start3A_51] : memref<10240x32xf32, #tpu.memory_space<hbm>> -> memref<640x32xf32, #tpu.memory_space<hbm>>
      tpu.enqueue_dma source(%dma_start3A_52 : memref<640x32xf32, #tpu.memory_space<hbm>>) target(%dma_start3A_50 : memref<640x32xf32, #tpu.memory_space<vmem_shared>>) target_semaphore(%run_scoped3A_48 : memref<!tpu.dma_semaphore, #tpu.memory_space<semaphore_mem>>)
      %dma_wait3A_53 = arith.constant 0 : i32
      %dma_wait3A_54 = tpu.memref_slice %arg11[%mul3A_7, %dma_wait3A_53] : memref<10240x32xf32, #tpu.memory_space<vmem_shared>> -> memref<640x32xf32, #tpu.memory_space<vmem_shared>>
      %dma_wait3A_55 = arith.constant 0 : i32
      %dma_wait3A_56 = tpu.memref_slice %arg4[%mul3A_5, %dma_wait3A_55] : memref<10240x32xf32, #tpu.memory_space<hbm>> -> memref<640x32xf32, #tpu.memory_space<hbm>>
      tpu.wait_dma2 semaphore(%run_scoped3A_48 : memref<!tpu.dma_semaphore, #tpu.memory_space<semaphore_mem>>) src(%dma_wait3A_56 : memref<640x32xf32, #tpu.memory_space<hbm>>) dst(%dma_wait3A_54 : memref<640x32xf32, #tpu.memory_space<vmem_shared>>)
      tpu.yield
    }) : () -> ()
    %mul3A_8 = arith.constant 640 : i32
    %mul3A_9 = arith.muli %arg1, %mul3A_8 : i32
    %mul3A_10 = arith.constant 640 : i32
    %mul3A_11 = arith.muli %arg1, %mul3A_10 : i32
    "tpu.region"() ({
      %run_scoped3A_48 = tpu.sem_alloc : memref<!tpu.dma_semaphore, #tpu.memory_space<semaphore_mem>>
      %dma_start3A_49 = arith.constant 0 : i32
      %dma_start3A_50 = tpu.memref_slice %arg10[%mul3A_11, %dma_start3A_49] : memref<10240x32xf32, #tpu.memory_space<vmem_shared>> -> memref<640x32xf32, #tpu.memory_space<vmem_shared>>
      %dma_start3A_51 = arith.constant 0 : i32
      %dma_start3A_52 = tpu.memref_slice %arg3[%mul3A_9, %dma_start3A_51] : memref<10240x32xf32, #tpu.memory_space<hbm>> -> memref<640x32xf32, #tpu.memory_space<hbm>>
      tpu.enqueue_dma source(%dma_start3A_52 : memref<640x32xf32, #tpu.memory_space<hbm>>) target(%dma_start3A_50 : memref<640x32xf32, #tpu.memory_space<vmem_shared>>) target_semaphore(%run_scoped3A_48 : memref<!tpu.dma_semaphore, #tpu.memory_space<semaphore_mem>>)
      %dma_wait3A_53 = arith.constant 0 : i32
      %dma_wait3A_54 = tpu.memref_slice %arg10[%mul3A_11, %dma_wait3A_53] : memref<10240x32xf32, #tpu.memory_space<vmem_shared>> -> memref<640x32xf32, #tpu.memory_space<vmem_shared>>
      %dma_wait3A_55 = arith.constant 0 : i32
      %dma_wait3A_56 = tpu.memref_slice %arg3[%mul3A_9, %dma_wait3A_55] : memref<10240x32xf32, #tpu.memory_space<hbm>> -> memref<640x32xf32, #tpu.memory_space<hbm>>
      tpu.wait_dma2 semaphore(%run_scoped3A_48 : memref<!tpu.dma_semaphore, #tpu.memory_space<semaphore_mem>>) src(%dma_wait3A_56 : memref<640x32xf32, #tpu.memory_space<hbm>>) dst(%dma_wait3A_54 : memref<640x32xf32, #tpu.memory_space<vmem_shared>>)
      tpu.yield
    }) : () -> ()
    %barrier3A = arith.constant 0 : index
    tpu.barrier barrier_id(%barrier3A)
    %multiple_of3A_12 = arith.constant 0 : i32
    %multiple_of3A_13 = tpu.assume_multiple %multiple_of3A_12, 8 : i32
    %dma_start3A = tpu.memref_slice %arg6[%multiple_of3A_13] : memref<10000xi32, #tpu.memory_space<vmem>> -> memref<1000xi32, #tpu.memory_space<vmem>>
    %dma_start3A_14 = arith.constant 0 : i32
    %dma_start3A_15 = arith.constant 0 : i32
    %dma_start3A_16 = tpu.memref_slice %arg10[%dma_start3A_14, %dma_start3A_15] : memref<10240x32xf32, #tpu.memory_space<vmem_shared>> -> memref<10240x32xf32, #tpu.memory_space<vmem_shared>>
    tpu.enqueue_indirect_dma source(%dma_start3A_16 : memref<10240x32xf32, #tpu.memory_space<vmem_shared>>) target(%arg8 : memref<1000x32xf32, #tpu.memory_space<vmem>>) offsets(%dma_start3A : memref<1000xi32, #tpu.memory_space<vmem>>) semaphore(%arg12 : memref<!tpu.dma_semaphore, #tpu.memory_space<semaphore_mem>>)
    %scan3A = arith.constant 0 : i32
    %scan3A_17 = arith.constant 0 : i32
    %scan3A_18 = arith.constant 4 : i32
    %scan3A_19 = arith.addi %scan3A_17, %scan3A_18 : i32
    %scan3A_20 = arith.constant 1 : i32
    scf.for %scan3A_48 = %scan3A_17 to %scan3A_19 step %scan3A_20  : i32 {
      %mul3A_49 = arith.constant 2 : i32
      %mul3A_50 = arith.muli %scan3A_48, %mul3A_49 : i32
      %add3A_51 = arith.constant 1 : i32
      %add3A_52 = arith.addi %mul3A_50, %add3A_51 : i32
      %mul3A_53 = arith.constant 1000 : i32
      %mul3A_54 = arith.muli %add3A_52, %mul3A_53 : i32
      %multiple_of3A_55 = tpu.assume_multiple %mul3A_54, 8 : i32
      %dma_start3A_56 = tpu.memref_slice %arg6[%multiple_of3A_55] : memref<10000xi32, #tpu.memory_space<vmem>> -> memref<1000xi32, #tpu.memory_space<vmem>>
      %dma_start3A_57 = arith.constant 0 : i32
      %dma_start3A_58 = arith.constant 0 : i32
      %dma_start3A_59 = tpu.memref_slice %arg10[%dma_start3A_57, %dma_start3A_58] : memref<10240x32xf32, #tpu.memory_space<vmem_shared>> -> memref<10240x32xf32, #tpu.memory_space<vmem_shared>>
      tpu.enqueue_indirect_dma source(%dma_start3A_59 : memref<10240x32xf32, #tpu.memory_space<vmem_shared>>) target(%arg9 : memref<1000x32xf32, #tpu.memory_space<vmem>>) offsets(%dma_start3A_56 : memref<1000xi32, #tpu.memory_space<vmem>>) semaphore(%arg13 : memref<!tpu.dma_semaphore, #tpu.memory_space<semaphore_mem>>)
      %mul3A_60 = arith.constant 1000 : i32
      %mul3A_61 = arith.muli %mul3A_50, %mul3A_60 : i32
      %multiple_of3A_62 = tpu.assume_multiple %mul3A_61, 8 : i32
      %dma_wait3A_63 = tpu.memref_slice %arg6[%multiple_of3A_62] : memref<10000xi32, #tpu.memory_space<vmem>> -> memref<1000xi32, #tpu.memory_space<vmem>>
      %dma_wait3A_64 = arith.constant 0 : i32
      %dma_wait3A_65 = arith.constant 0 : i32
      %dma_wait3A_66 = tpu.memref_slice %arg10[%dma_wait3A_64, %dma_wait3A_65] : memref<10240x32xf32, #tpu.memory_space<vmem_shared>> -> memref<10240x32xf32, #tpu.memory_space<vmem_shared>>
      tpu.wait_indirect_dma semaphore(%arg12 : memref<!tpu.dma_semaphore, #tpu.memory_space<semaphore_mem>>) src(%dma_wait3A_66 : memref<10240x32xf32, #tpu.memory_space<vmem_shared>>) dst(%arg8 : memref<1000x32xf32, #tpu.memory_space<vmem>>)
      %mul3A_67 = arith.constant 1000 : i32
      %mul3A_68 = arith.muli %mul3A_50, %mul3A_67 : i32
      %multiple_of3A_69 = tpu.assume_multiple %mul3A_68, 8 : i32
      "tpu.region"() ({
        %run_scoped3A_93 = tpu.sem_alloc : memref<!tpu.dma_semaphore, #tpu.memory_space<semaphore_mem>>
        %dma_start3A_94 = tpu.memref_slice %arg7[%multiple_of3A_69] : memref<10000xi32, #tpu.memory_space<vmem>> -> memref<1000xi32, #tpu.memory_space<vmem>>
        %dma_start3A_95 = arith.constant 0 : i32
        %dma_start3A_96 = arith.constant 0 : i32
        %dma_start3A_97 = tpu.memref_slice %arg11[%dma_start3A_95, %dma_start3A_96] : memref<10240x32xf32, #tpu.memory_space<vmem_shared>> -> memref<10240x32xf32, #tpu.memory_space<vmem_shared>>
        tpu.enqueue_indirect_dma source(%arg8 : memref<1000x32xf32, #tpu.memory_space<vmem>>) target(%dma_start3A_97 : memref<10240x32xf32, #tpu.memory_space<vmem_shared>>) offsets(%dma_start3A_94 : memref<1000xi32, #tpu.memory_space<vmem>>) semaphore(%run_scoped3A_93 : memref<!tpu.dma_semaphore, #tpu.memory_space<semaphore_mem>>) {add = true}
        %dma_wait3A_98 = tpu.memref_slice %arg7[%multiple_of3A_69] : memref<10000xi32, #tpu.memory_space<vmem>> -> memref<1000xi32, #tpu.memory_space<vmem>>
        %dma_wait3A_99 = arith.constant 0 : i32
        %dma_wait3A_100 = arith.constant 0 : i32
        %dma_wait3A_101 = tpu.memref_slice %arg11[%dma_wait3A_99, %dma_wait3A_100] : memref<10240x32xf32, #tpu.memory_space<vmem_shared>> -> memref<10240x32xf32, #tpu.memory_space<vmem_shared>>
        tpu.wait_indirect_dma semaphore(%run_scoped3A_93 : memref<!tpu.dma_semaphore, #tpu.memory_space<semaphore_mem>>) src(%arg8 : memref<1000x32xf32, #tpu.memory_space<vmem>>) dst(%dma_wait3A_101 : memref<10240x32xf32, #tpu.memory_space<vmem_shared>>)
        tpu.yield
      }) : () -> ()
      %add3A_70 = arith.constant 2 : i32
      %add3A_71 = arith.addi %mul3A_50, %add3A_70 : i32
      %mul3A_72 = arith.constant 1000 : i32
      %mul3A_73 = arith.muli %add3A_71, %mul3A_72 : i32
      %multiple_of3A_74 = tpu.assume_multiple %mul3A_73, 8 : i32
      %dma_start3A_75 = tpu.memref_slice %arg6[%multiple_of3A_74] : memref<10000xi32, #tpu.memory_space<vmem>> -> memref<1000xi32, #tpu.memory_space<vmem>>
      %dma_start3A_76 = arith.constant 0 : i32
      %dma_start3A_77 = arith.constant 0 : i32
      %dma_start3A_78 = tpu.memref_slice %arg10[%dma_start3A_76, %dma_start3A_77] : memref<10240x32xf32, #tpu.memory_space<vmem_shared>> -> memref<10240x32xf32, #tpu.memory_space<vmem_shared>>
      tpu.enqueue_indirect_dma source(%dma_start3A_78 : memref<10240x32xf32, #tpu.memory_space<vmem_shared>>) target(%arg8 : memref<1000x32xf32, #tpu.memory_space<vmem>>) offsets(%dma_start3A_75 : memref<1000xi32, #tpu.memory_space<vmem>>) semaphore(%arg12 : memref<!tpu.dma_semaphore, #tpu.memory_space<semaphore_mem>>)
      %add3A_79 = arith.constant 1 : i32
      %add3A_80 = arith.addi %mul3A_50, %add3A_79 : i32
      %mul3A_81 = arith.constant 1000 : i32
      %mul3A_82 = arith.muli %add3A_80, %mul3A_81 : i32
      %multiple_of3A_83 = tpu.assume_multiple %mul3A_82, 8 : i32
      %dma_wait3A_84 = tpu.memref_slice %arg6[%multiple_of3A_83] : memref<10000xi32, #tpu.memory_space<vmem>> -> memref<1000xi32, #tpu.memory_space<vmem>>
      %dma_wait3A_85 = arith.constant 0 : i32
      %dma_wait3A_86 = arith.constant 0 : i32
      %dma_wait3A_87 = tpu.memref_slice %arg10[%dma_wait3A_85, %dma_wait3A_86] : memref<10240x32xf32, #tpu.memory_space<vmem_shared>> -> memref<10240x32xf32, #tpu.memory_space<vmem_shared>>
      tpu.wait_indirect_dma semaphore(%arg13 : memref<!tpu.dma_semaphore, #tpu.memory_space<semaphore_mem>>) src(%dma_wait3A_87 : memref<10240x32xf32, #tpu.memory_space<vmem_shared>>) dst(%arg9 : memref<1000x32xf32, #tpu.memory_space<vmem>>)
      %add3A_88 = arith.constant 1 : i32
      %add3A_89 = arith.addi %mul3A_50, %add3A_88 : i32
      %mul3A_90 = arith.constant 1000 : i32
      %mul3A_91 = arith.muli %add3A_89, %mul3A_90 : i32
      %multiple_of3A_92 = tpu.assume_multiple %mul3A_91, 8 : i32
      "tpu.region"() ({
        %run_scoped3A_93 = tpu.sem_alloc : memref<!tpu.dma_semaphore, #tpu.memory_space<semaphore_mem>>
        %dma_start3A_94 = tpu.memref_slice %arg7[%multiple_of3A_92] : memref<10000xi32, #tpu.memory_space<vmem>> -> memref<1000xi32, #tpu.memory_space<vmem>>
        %dma_start3A_95 = arith.constant 0 : i32
        %dma_start3A_96 = arith.constant 0 : i32
        %dma_start3A_97 = tpu.memref_slice %arg11[%dma_start3A_95, %dma_start3A_96] : memref<10240x32xf32, #tpu.memory_space<vmem_shared>> -> memref<10240x32xf32, #tpu.memory_space<vmem_shared>>
        tpu.enqueue_indirect_dma source(%arg9 : memref<1000x32xf32, #tpu.memory_space<vmem>>) target(%dma_start3A_97 : memref<10240x32xf32, #tpu.memory_space<vmem_shared>>) offsets(%dma_start3A_94 : memref<1000xi32, #tpu.memory_space<vmem>>) semaphore(%run_scoped3A_93 : memref<!tpu.dma_semaphore, #tpu.memory_space<semaphore_mem>>) {add = true}
        %dma_wait3A_98 = tpu.memref_slice %arg7[%multiple_of3A_92] : memref<10000xi32, #tpu.memory_space<vmem>> -> memref<1000xi32, #tpu.memory_space<vmem>>
        %dma_wait3A_99 = arith.constant 0 : i32
        %dma_wait3A_100 = arith.constant 0 : i32
        %dma_wait3A_101 = tpu.memref_slice %arg11[%dma_wait3A_99, %dma_wait3A_100] : memref<10240x32xf32, #tpu.memory_space<vmem_shared>> -> memref<10240x32xf32, #tpu.memory_space<vmem_shared>>
        tpu.wait_indirect_dma semaphore(%run_scoped3A_93 : memref<!tpu.dma_semaphore, #tpu.memory_space<semaphore_mem>>) src(%arg9 : memref<1000x32xf32, #tpu.memory_space<vmem>>) dst(%dma_wait3A_101 : memref<10240x32xf32, #tpu.memory_space<vmem_shared>>)
        tpu.yield
      }) : () -> ()
    }
    %scan3A_21 = arith.constant 4 : i32
    %multiple_of3A_22 = arith.constant 9000 : i32
    %multiple_of3A_23 = tpu.assume_multiple %multiple_of3A_22, 8 : i32
    %dma_start3A_24 = tpu.memref_slice %arg6[%multiple_of3A_23] : memref<10000xi32, #tpu.memory_space<vmem>> -> memref<1000xi32, #tpu.memory_space<vmem>>
    %dma_start3A_25 = arith.constant 0 : i32
    %dma_start3A_26 = arith.constant 0 : i32
    %dma_start3A_27 = tpu.memref_slice %arg10[%dma_start3A_25, %dma_start3A_26] : memref<10240x32xf32, #tpu.memory_space<vmem_shared>> -> memref<10240x32xf32, #tpu.memory_space<vmem_shared>>
    tpu.enqueue_indirect_dma source(%dma_start3A_27 : memref<10240x32xf32, #tpu.memory_space<vmem_shared>>) target(%arg9 : memref<1000x32xf32, #tpu.memory_space<vmem>>) offsets(%dma_start3A_24 : memref<1000xi32, #tpu.memory_space<vmem>>) semaphore(%arg13 : memref<!tpu.dma_semaphore, #tpu.memory_space<semaphore_mem>>)
    %multiple_of3A_28 = arith.constant 8000 : i32
    %multiple_of3A_29 = tpu.assume_multiple %multiple_of3A_28, 8 : i32
    %dma_wait3A = tpu.memref_slice %arg6[%multiple_of3A_29] : memref<10000xi32, #tpu.memory_space<vmem>> -> memref<1000xi32, #tpu.memory_space<vmem>>
    %dma_wait3A_30 = arith.constant 0 : i32
    %dma_wait3A_31 = arith.constant 0 : i32
    %dma_wait3A_32 = tpu.memref_slice %arg10[%dma_wait3A_30, %dma_wait3A_31] : memref<10240x32xf32, #tpu.memory_space<vmem_shared>> -> memref<10240x32xf32, #tpu.memory_space<vmem_shared>>
    tpu.wait_indirect_dma semaphore(%arg12 : memref<!tpu.dma_semaphore, #tpu.memory_space<semaphore_mem>>) src(%dma_wait3A_32 : memref<10240x32xf32, #tpu.memory_space<vmem_shared>>) dst(%arg8 : memref<1000x32xf32, #tpu.memory_space<vmem>>)
    %multiple_of3A_33 = arith.constant 8000 : i32
    %multiple_of3A_34 = tpu.assume_multiple %multiple_of3A_33, 8 : i32
    "tpu.region"() ({
      %run_scoped3A_48 = tpu.sem_alloc : memref<!tpu.dma_semaphore, #tpu.memory_space<semaphore_mem>>
      %dma_start3A_49 = tpu.memref_slice %arg7[%multiple_of3A_34] : memref<10000xi32, #tpu.memory_space<vmem>> -> memref<1000xi32, #tpu.memory_space<vmem>>
      %dma_start3A_50 = arith.constant 0 : i32
      %dma_start3A_51 = arith.constant 0 : i32
      %dma_start3A_52 = tpu.memref_slice %arg11[%dma_start3A_50, %dma_start3A_51] : memref<10240x32xf32, #tpu.memory_space<vmem_shared>> -> memref<10240x32xf32, #tpu.memory_space<vmem_shared>>
      tpu.enqueue_indirect_dma source(%arg8 : memref<1000x32xf32, #tpu.memory_space<vmem>>) target(%dma_start3A_52 : memref<10240x32xf32, #tpu.memory_space<vmem_shared>>) offsets(%dma_start3A_49 : memref<1000xi32, #tpu.memory_space<vmem>>) semaphore(%run_scoped3A_48 : memref<!tpu.dma_semaphore, #tpu.memory_space<semaphore_mem>>) {add = true}
      %dma_wait3A_53 = tpu.memref_slice %arg7[%multiple_of3A_34] : memref<10000xi32, #tpu.memory_space<vmem>> -> memref<1000xi32, #tpu.memory_space<vmem>>
      %dma_wait3A_54 = arith.constant 0 : i32
      %dma_wait3A_55 = arith.constant 0 : i32
      %dma_wait3A_56 = tpu.memref_slice %arg11[%dma_wait3A_54, %dma_wait3A_55] : memref<10240x32xf32, #tpu.memory_space<vmem_shared>> -> memref<10240x32xf32, #tpu.memory_space<vmem_shared>>
      tpu.wait_indirect_dma semaphore(%run_scoped3A_48 : memref<!tpu.dma_semaphore, #tpu.memory_space<semaphore_mem>>) src(%arg8 : memref<1000x32xf32, #tpu.memory_space<vmem>>) dst(%dma_wait3A_56 : memref<10240x32xf32, #tpu.memory_space<vmem_shared>>)
      tpu.yield
    }) : () -> ()
    %multiple_of3A_35 = arith.constant 9000 : i32
    %multiple_of3A_36 = tpu.assume_multiple %multiple_of3A_35, 8 : i32
    %dma_wait3A_37 = tpu.memref_slice %arg6[%multiple_of3A_36] : memref<10000xi32, #tpu.memory_space<vmem>> -> memref<1000xi32, #tpu.memory_space<vmem>>
    %dma_wait3A_38 = arith.constant 0 : i32
    %dma_wait3A_39 = arith.constant 0 : i32
    %dma_wait3A_40 = tpu.memref_slice %arg10[%dma_wait3A_38, %dma_wait3A_39] : memref<10240x32xf32, #tpu.memory_space<vmem_shared>> -> memref<10240x32xf32, #tpu.memory_space<vmem_shared>>
    tpu.wait_indirect_dma semaphore(%arg13 : memref<!tpu.dma_semaphore, #tpu.memory_space<semaphore_mem>>) src(%dma_wait3A_40 : memref<10240x32xf32, #tpu.memory_space<vmem_shared>>) dst(%arg9 : memref<1000x32xf32, #tpu.memory_space<vmem>>)
    %multiple_of3A_41 = arith.constant 9000 : i32
    %multiple_of3A_42 = tpu.assume_multiple %multiple_of3A_41, 8 : i32
    "tpu.region"() ({
      %run_scoped3A_48 = tpu.sem_alloc : memref<!tpu.dma_semaphore, #tpu.memory_space<semaphore_mem>>
      %dma_start3A_49 = tpu.memref_slice %arg7[%multiple_of3A_42] : memref<10000xi32, #tpu.memory_space<vmem>> -> memref<1000xi32, #tpu.memory_space<vmem>>
      %dma_start3A_50 = arith.constant 0 : i32
      %dma_start3A_51 = arith.constant 0 : i32
      %dma_start3A_52 = tpu.memref_slice %arg11[%dma_start3A_50, %dma_start3A_51] : memref<10240x32xf32, #tpu.memory_space<vmem_shared>> -> memref<10240x32xf32, #tpu.memory_space<vmem_shared>>
      tpu.enqueue_indirect_dma source(%arg9 : memref<1000x32xf32, #tpu.memory_space<vmem>>) target(%dma_start3A_52 : memref<10240x32xf32, #tpu.memory_space<vmem_shared>>) offsets(%dma_start3A_49 : memref<1000xi32, #tpu.memory_space<vmem>>) semaphore(%run_scoped3A_48 : memref<!tpu.dma_semaphore, #tpu.memory_space<semaphore_mem>>) {add = true}
      %dma_wait3A_53 = tpu.memref_slice %arg7[%multiple_of3A_42] : memref<10000xi32, #tpu.memory_space<vmem>> -> memref<1000xi32, #tpu.memory_space<vmem>>
      %dma_wait3A_54 = arith.constant 0 : i32
      %dma_wait3A_55 = arith.constant 0 : i32
      %dma_wait3A_56 = tpu.memref_slice %arg11[%dma_wait3A_54, %dma_wait3A_55] : memref<10240x32xf32, #tpu.memory_space<vmem_shared>> -> memref<10240x32xf32, #tpu.memory_space<vmem_shared>>
      tpu.wait_indirect_dma semaphore(%run_scoped3A_48 : memref<!tpu.dma_semaphore, #tpu.memory_space<semaphore_mem>>) src(%arg9 : memref<1000x32xf32, #tpu.memory_space<vmem>>) dst(%dma_wait3A_56 : memref<10240x32xf32, #tpu.memory_space<vmem_shared>>)
      tpu.yield
    }) : () -> ()
    %barrier3A_43 = arith.constant 0 : index
    tpu.barrier barrier_id(%barrier3A_43)
    %mul3A_44 = arith.constant 640 : i32
    %mul3A_45 = arith.muli %arg1, %mul3A_44 : i32
    %mul3A_46 = arith.constant 640 : i32
    %mul3A_47 = arith.muli %arg1, %mul3A_46 : i32
    "tpu.region"() ({
      %run_scoped3A_48 = tpu.sem_alloc : memref<!tpu.dma_semaphore, #tpu.memory_space<semaphore_mem>>
      %dma_start3A_49 = arith.constant 0 : i32
      %dma_start3A_50 = tpu.memref_slice %arg5[%arg0, %mul3A_47, %dma_start3A_49] : memref<2x10240x32xf32, #tpu.memory_space<hbm>> -> memref<1x640x32xf32, #tpu.memory_space<hbm>>
      %dma_start3A_51 = tpu.memref_squeeze %dma_start3A_50 : memref<1x640x32xf32, #tpu.memory_space<hbm>> -> memref<640x32xf32, #tpu.memory_space<hbm>>
      %dma_start3A_52 = arith.constant 0 : i32
      %dma_start3A_53 = tpu.memref_slice %arg11[%mul3A_45, %dma_start3A_52] : memref<10240x32xf32, #tpu.memory_space<vmem_shared>> -> memref<640x32xf32, #tpu.memory_space<vmem_shared>>
      tpu.enqueue_dma source(%dma_start3A_53 : memref<640x32xf32, #tpu.memory_space<vmem_shared>>) target(%dma_start3A_51 : memref<640x32xf32, #tpu.memory_space<hbm>>) target_semaphore(%run_scoped3A_48 : memref<!tpu.dma_semaphore, #tpu.memory_space<semaphore_mem>>)
      %dma_wait3A_54 = arith.constant 0 : i32
      %dma_wait3A_55 = tpu.memref_slice %arg5[%arg0, %mul3A_47, %dma_wait3A_54] : memref<2x10240x32xf32, #tpu.memory_space<hbm>> -> memref<1x640x32xf32, #tpu.memory_space<hbm>>
      %dma_wait3A_56 = tpu.memref_squeeze %dma_wait3A_55 : memref<1x640x32xf32, #tpu.memory_space<hbm>> -> memref<640x32xf32, #tpu.memory_space<hbm>>
      %dma_wait3A_57 = arith.constant 0 : i32
      %dma_wait3A_58 = tpu.memref_slice %arg11[%mul3A_45, %dma_wait3A_57] : memref<10240x32xf32, #tpu.memory_space<vmem_shared>> -> memref<640x32xf32, #tpu.memory_space<vmem_shared>>
      tpu.wait_dma2 semaphore(%run_scoped3A_48 : memref<!tpu.dma_semaphore, #tpu.memory_space<semaphore_mem>>) src(%dma_wait3A_58 : memref<640x32xf32, #tpu.memory_space<vmem_shared>>) dst(%dma_wait3A_56 : memref<640x32xf32, #tpu.memory_space<hbm>>)
      tpu.yield
    }) : () -> ()
    return
  }
}

module attributes {stable_mosaic.version = 14 : i64} {
  func.func @_tcmm_body(%arg0: i32, %arg1: memref<1024x128xf32, #tpu.memory_space<vmem>>, %arg2: memref<128x32xf32, #tpu.memory_space<vmem>>, %arg3: memref<1024x32xf32, #tpu.memory_space<vmem>>) attributes {dimension_semantics = [#tpu.dimension_semantics<arbitrary>], iteration_bounds = array<i64: 10>, scalar_prefetch = 0 : i64, scratch_operands = 0 : i64, tpu.core_type = #tpu.core_type<tc>, window_params = [{transform_indices = @transform_0, window_bounds = array<i64: 1024, 128>}, {pipeline_mode = #tpu.pipeline_mode<synchronous>, transform_indices = @transform_1, window_bounds = array<i64: 128, 32>}, {transform_indices = @transform_2, window_bounds = array<i64: 1024, 32>}]} {
    %get3A = arith.constant 0 : index
    %get3A_0 = arith.constant 0 : index
    %get3A_1 = vector.load %arg1[%get3A, %get3A_0] : memref<1024x128xf32, #tpu.memory_space<vmem>>, vector<1024x128xf32>
    %get3A_2 = arith.constant 0 : index
    %get3A_3 = arith.constant 0 : index
    %get3A_4 = vector.load %arg2[%get3A_2, %get3A_3] : memref<128x32xf32, #tpu.memory_space<vmem>>, vector<128x32xf32>
    %dot_general3A = arith.constant dense<0.000000e+00> : vector<1024x32xf32>
    %dot_general3A_5 = tpu.matmul %get3A_1, %get3A_4, %dot_general3A {dimension_numbers = #tpu.dot_dimension_numbers<[1], [0], [0], [1], [0, 0, 1, 1], [], []>, transpose_lhs_hint = false} : vector<1024x128xf32>, vector<128x32xf32>, vector<1024x32xf32> -> vector<1024x32xf32>
    %swap3A = arith.constant 0 : index
    %swap3A_6 = arith.constant 0 : index
    %swap3A_7 = vector.load %arg3[%swap3A, %swap3A_6] : memref<1024x32xf32, #tpu.memory_space<vmem>>, vector<1024x32xf32>
    tpu.vector_store %arg3[%swap3A, %swap3A_6], %dot_general3A_5 {strides = array<i32>} : memref<1024x32xf32, #tpu.memory_space<vmem>>, vector<1024x32xf32>,
    return
  }
  func.func @transform_0(%arg0: i32) -> (i32, i32) {
    %c0_i32 = arith.constant 0 : i32
    %c0_i32_0 = arith.constant 0 : i32
    return %arg0, %c0_i32 : i32, i32
  }
  func.func @transform_1(%arg0: i32) -> (i32, i32) {
    %c0_i32 = arith.constant 0 : i32
    %c0_i32_0 = arith.constant 0 : i32
    %c0_i32_1 = arith.constant 0 : i32
    return %c0_i32, %c0_i32_0 : i32, i32
  }
  func.func @transform_2(%arg0: i32) -> (i32, i32) {
    %c0_i32 = arith.constant 0 : i32
    %c0_i32_0 = arith.constant 0 : i32
    return %arg0, %c0_i32 : i32, i32
  }
}

module attributes {stable_mosaic.version = 14 : i64} {
  func.func @_tcnorm_body(%arg0: i32, %arg1: memref<5120x32xf32, #tpu.memory_space<vmem>>, %arg2: memref<2x1x5120xf32, #tpu.memory_space<vmem>>, %arg3: memref<5120x32xf32, #tpu.memory_space<vmem>>, %arg4: memref<5120x1xf32, #tpu.memory_space<vmem>>) attributes {dimension_semantics = [#tpu.dimension_semantics<arbitrary>], iteration_bounds = array<i64: 2>, scalar_prefetch = 0 : i64, scratch_operands = 0 : i64, tpu.core_type = #tpu.core_type<tc>, window_params = [{transform_indices = @transform_0, window_bounds = array<i64: 5120, 32>}, {transform_indices = @transform_1, window_bounds = array<i64: 2, 1, 5120>}, {transform_indices = @transform_2, window_bounds = array<i64: 5120, 32>}, {transform_indices = @transform_3, window_bounds = array<i64: 5120, 1>}]} {
    %get3A = arith.constant 0 : index
    %get3A_0 = arith.constant 0 : index
    %get3A_1 = arith.constant 0 : index
    %get3A_2 = vector.load %arg2[%get3A, %get3A_0, %get3A_1] : memref<2x1x5120xf32, #tpu.memory_space<vmem>>, vector<1x1x5120xf32>
    %get3A_3 = vector.shape_cast %get3A_2 : vector<1x1x5120xf32> to vector<5120xf32>
    %get3A_4 = arith.constant 1 : index
    %get3A_5 = arith.constant 0 : index
    %get3A_6 = arith.constant 0 : index
    %get3A_7 = vector.load %arg2[%get3A_4, %get3A_5, %get3A_6] : memref<2x1x5120xf32, #tpu.memory_space<vmem>>, vector<1x1x5120xf32>
    %get3A_8 = vector.shape_cast %get3A_7 : vector<1x1x5120xf32> to vector<5120xf32>
    %add3A = arith.addf %get3A_3, %get3A_8 : vector<5120xf32>
    %add3A_9 = arith.constant 1.000000e+00 : f32
    %add3A_10 = vector.broadcast %add3A_9 : f32 to vector<5120xf32>
    %add3A_11 = arith.addf %add3A, %add3A_10 : vector<5120xf32>
    %rsqrt3A = math.rsqrt %add3A_11 : vector<5120xf32>
    %broadcast_in_dim3A = vector.shape_cast %rsqrt3A : vector<5120xf32> to vector<5120x1xf32>
    %get3A_12 = arith.constant 0 : index
    %get3A_13 = arith.constant 0 : index
    %get3A_14 = vector.load %arg1[%get3A_12, %get3A_13] : memref<5120x32xf32, #tpu.memory_space<vmem>>, vector<5120x32xf32>
    %mul3A = vector.broadcast %broadcast_in_dim3A : vector<5120x1xf32> to vector<5120x32xf32>
    %mul3A_15 = arith.mulf %get3A_14, %mul3A : vector<5120x32xf32>
    %swap3A = arith.constant 0 : index
    %swap3A_16 = arith.constant 0 : index
    %swap3A_17 = vector.load %arg3[%swap3A, %swap3A_16] : memref<5120x32xf32, #tpu.memory_space<vmem>>, vector<5120x32xf32>
    tpu.vector_store %arg3[%swap3A, %swap3A_16], %mul3A_15 {strides = array<i32>} : memref<5120x32xf32, #tpu.memory_space<vmem>>, vector<5120x32xf32>,
    %swap3A_18 = arith.constant 0 : index
    %swap3A_19 = arith.constant 0 : index
    %swap3A_20 = vector.load %arg4[%swap3A_18, %swap3A_19] : memref<5120x1xf32, #tpu.memory_space<vmem>>, vector<5120x1xf32>
    tpu.vector_store %arg4[%swap3A_18, %swap3A_19], %broadcast_in_dim3A {strides = array<i32>} : memref<5120x1xf32, #tpu.memory_space<vmem>>, vector<5120x1xf32>,
    return
  }
  func.func @transform_0(%arg0: i32) -> (i32, i32) {
    %c0_i32 = arith.constant 0 : i32
    %c0_i32_0 = arith.constant 0 : i32
    return %arg0, %c0_i32 : i32, i32
  }
  func.func @transform_1(%arg0: i32) -> (i32, i32, i32) {
    %c0_i32 = arith.constant 0 : i32
    %c0_i32_0 = arith.constant 0 : i32
    %c0_i32_1 = arith.constant 0 : i32
    return %c0_i32, %c0_i32_0, %arg0 : i32, i32, i32
  }
  func.func @transform_2(%arg0: i32) -> (i32, i32) {
    %c0_i32 = arith.constant 0 : i32
    %c0_i32_0 = arith.constant 0 : i32
    return %arg0, %c0_i32 : i32, i32
  }
  func.func @transform_3(%arg0: i32) -> (i32, i32) {
    %c0_i32 = arith.constant 0 : i32
    %c0_i32_0 = arith.constant 0 : i32
    return %arg0, %c0_i32 : i32, i32
  }
}

module attributes {stable_mosaic.version = 14 : i64} {
  func.func @_tc2_body(%arg0: i32, %arg1: memref<2x5120x32xf32, #tpu.memory_space<vmem>>, %arg2: memref<5120x32xf32, #tpu.memory_space<vmem>>, %arg3: memref<5120x1xf32, #tpu.memory_space<vmem>>, %arg4: memref<5120xi32, #tpu.memory_space<vmem>>, %arg5: memref<32xf32, #tpu.memory_space<vmem>>, %arg6: memref<32x1xf32, #tpu.memory_space<vmem>>, %arg7: memref<1xf32, #tpu.memory_space<vmem>>, %arg8: memref<64x1xf32, #tpu.memory_space<vmem>>, %arg9: memref<64x32xf32, #tpu.memory_space<vmem>>, %arg10: memref<64x1xf32, #tpu.memory_space<vmem>>) attributes {dimension_semantics = [#tpu.dimension_semantics<arbitrary>], iteration_bounds = array<i64: 2>, scalar_prefetch = 0 : i64, scratch_operands = 2 : i64, tpu.core_type = #tpu.core_type<tc>, window_params = [{transform_indices = @transform_0, window_bounds = array<i64: 2, 5120, 32>}, {transform_indices = @transform_1, window_bounds = array<i64: 5120, 32>}, {transform_indices = @transform_2, window_bounds = array<i64: 5120, 1>}, {transform_indices = @transform_3, window_bounds = array<i64: 5120>}, {pipeline_mode = #tpu.pipeline_mode<synchronous>, transform_indices = @transform_4, window_bounds = array<i64: 32>}, {pipeline_mode = #tpu.pipeline_mode<synchronous>, transform_indices = @transform_5, window_bounds = array<i64: 32, 1>}, {pipeline_mode = #tpu.pipeline_mode<synchronous>, transform_indices = @transform_6, window_bounds = array<i64: 1>}, {pipeline_mode = #tpu.pipeline_mode<synchronous>, transform_indices = @transform_7, window_bounds = array<i64: 64, 1>}]} {
    %eq3A = arith.constant 0 : i32
    %eq3A_0 = arith.cmpi eq, %arg0, %eq3A : i32
    %convert_element_type3A = arith.extui %eq3A_0 : i1 to i32
    %cond3A = arith.constant 0 : i32
    %cond3A_1 = arith.cmpi ne, %convert_element_type3A, %cond3A : i32
    scf.if %cond3A_1 {
      %broadcast_in_dim3A_52 = arith.constant 0.000000e+00 : f32
      %broadcast_in_dim3A_53 = vector.broadcast %broadcast_in_dim3A_52 : f32 to vector<64x32xf32>
      %swap3A_54 = arith.constant 0 : index
      %swap3A_55 = arith.constant 0 : index
      %swap3A_56 = vector.load %arg9[%swap3A_54, %swap3A_55] : memref<64x32xf32, #tpu.memory_space<vmem>>, vector<64x32xf32>
      tpu.vector_store %arg9[%swap3A_54, %swap3A_55], %broadcast_in_dim3A_53 {strides = array<i32>} : memref<64x32xf32, #tpu.memory_space<vmem>>, vector<64x32xf32>,
      %broadcast_in_dim3A_57 = arith.constant 0.000000e+00 : f32
      %broadcast_in_dim3A_58 = vector.broadcast %broadcast_in_dim3A_57 : f32 to vector<64x1xf32>
      %swap3A_59 = arith.constant 0 : index
      %swap3A_60 = arith.constant 0 : index
      %swap3A_61 = vector.load %arg10[%swap3A_59, %swap3A_60] : memref<64x1xf32, #tpu.memory_space<vmem>>, vector<64x1xf32>
      tpu.vector_store %arg10[%swap3A_59, %swap3A_60], %broadcast_in_dim3A_58 {strides = array<i32>} : memref<64x1xf32, #tpu.memory_space<vmem>>, vector<64x1xf32>,
    } else {
    }
    %get3A = arith.constant 0 : index
    %get3A_2 = arith.constant 0 : index
    %get3A_3 = arith.constant 0 : index
    %get3A_4 = vector.load %arg1[%get3A, %get3A_2, %get3A_3] : memref<2x5120x32xf32, #tpu.memory_space<vmem>>, vector<1x5120x32xf32>
    %get3A_5 = vector.shape_cast %get3A_4 : vector<1x5120x32xf32> to vector<5120x32xf32>
    %get3A_6 = arith.constant 1 : index
    %get3A_7 = arith.constant 0 : index
    %get3A_8 = arith.constant 0 : index
    %get3A_9 = vector.load %arg1[%get3A_6, %get3A_7, %get3A_8] : memref<2x5120x32xf32, #tpu.memory_space<vmem>>, vector<1x5120x32xf32>
    %get3A_10 = vector.shape_cast %get3A_9 : vector<1x5120x32xf32> to vector<5120x32xf32>
    %add3A = arith.addf %get3A_5, %get3A_10 : vector<5120x32xf32>
    %get3A_11 = arith.constant 0 : index
    %get3A_12 = arith.constant 0 : index
    %get3A_13 = vector.load %arg3[%get3A_11, %get3A_12] : memref<5120x1xf32, #tpu.memory_space<vmem>>, vector<5120x1xf32>
    %get3A_14 = arith.constant 0 : index
    %get3A_15 = arith.constant 0 : index
    %get3A_16 = vector.load %arg2[%get3A_14, %get3A_15] : memref<5120x32xf32, #tpu.memory_space<vmem>>, vector<5120x32xf32>
    %add3A_17 = arith.addf %add3A, %get3A_16 : vector<5120x32xf32>
    %mul3A = vector.broadcast %get3A_13 : vector<5120x1xf32> to vector<5120x32xf32>
    %mul3A_18 = arith.mulf %mul3A, %add3A_17 : vector<5120x32xf32>
    %get3A_19 = arith.constant 0 : index
    %get3A_20 = vector.load %arg5[%get3A_19] : memref<32xf32, #tpu.memory_space<vmem>>, vector<32xf32>
    %broadcast_in_dim3A = vector.shape_cast %get3A_20 : vector<32xf32> to vector<1x32xf32>
    %add3A_21 = vector.broadcast %broadcast_in_dim3A : vector<1x32xf32> to vector<5120x32xf32>
    %add3A_22 = arith.addf %mul3A_18, %add3A_21 : vector<5120x32xf32>
    %max3A = arith.constant 0.000000e+00 : f32
    %max3A_23 = vector.broadcast %max3A : f32 to vector<5120x32xf32>
    %max3A_24 = arith.maximumf %add3A_22, %max3A_23 : vector<5120x32xf32>
    %get3A_25 = arith.constant 0 : index
    %get3A_26 = vector.load %arg4[%get3A_25] : memref<5120xi32, #tpu.memory_space<vmem>>, vector<5120xi32>
    %reshape3A = vector.shape_cast %get3A_26 : vector<5120xi32> to vector<1x5120xi32>
    %iota3A = tpu.iota {dimensions = array<i32: 0>} : vector<64x5120xi32>
    %eq3A_27 = vector.broadcast %reshape3A : vector<1x5120xi32> to vector<64x5120xi32>
    %eq3A_28 = arith.cmpi eq, %iota3A, %eq3A_27 : vector<64x5120xi32>
    %convert_element_type3A_29 = arith.extui %eq3A_28 : vector<64x5120xi1> to vector<64x5120xi32>
    %convert_element_type3A_30 = arith.sitofp %convert_element_type3A_29 : vector<64x5120xi32> to vector<64x5120xf32>
    %get3A_31 = arith.constant 0 : index
    %get3A_32 = arith.constant 0 : index
    %get3A_33 = vector.load %arg9[%get3A_31, %get3A_32] : memref<64x32xf32, #tpu.memory_space<vmem>>, vector<64x32xf32>
    %dot_general3A = arith.constant dense<0.000000e+00> : vector<64x32xf32>
    %dot_general3A_34 = tpu.matmul %convert_element_type3A_30, %max3A_24, %dot_general3A {dimension_numbers = #tpu.dot_dimension_numbers<[1], [0], [0], [1], [0, 0, 1, 1], [], []>, transpose_lhs_hint = false} : vector<64x5120xf32>, vector<5120x32xf32>, vector<64x32xf32> -> vector<64x32xf32>
    %add3A_35 = arith.addf %get3A_33, %dot_general3A_34 : vector<64x32xf32>
    %swap3A = arith.constant 0 : index
    %swap3A_36 = arith.constant 0 : index
    %swap3A_37 = vector.load %arg9[%swap3A, %swap3A_36] : memref<64x32xf32, #tpu.memory_space<vmem>>, vector<64x32xf32>
    tpu.vector_store %arg9[%swap3A, %swap3A_36], %add3A_35 {strides = array<i32>} : memref<64x32xf32, #tpu.memory_space<vmem>>, vector<64x32xf32>,
    %get3A_38 = arith.constant 0 : index
    %get3A_39 = arith.constant 0 : index
    %get3A_40 = vector.load %arg10[%get3A_38, %get3A_39] : memref<64x1xf32, #tpu.memory_space<vmem>>, vector<64x1xf32>
    %reduce_sum3A = arith.constant dense<0.000000e+00> : vector<64xf32>
    %reduce_sum3A_41 = vector.multi_reduction <add>, %convert_element_type3A_30, %reduce_sum3A [1] : vector<64x5120xf32> to vector<64xf32>
    %broadcast_in_dim3A_42 = vector.shape_cast %reduce_sum3A_41 : vector<64xf32> to vector<64x1xf32>
    %add3A_43 = arith.addf %get3A_40, %broadcast_in_dim3A_42 : vector<64x1xf32>
    %swap3A_44 = arith.constant 0 : index
    %swap3A_45 = arith.constant 0 : index
    %swap3A_46 = vector.load %arg10[%swap3A_44, %swap3A_45] : memref<64x1xf32, #tpu.memory_space<vmem>>, vector<64x1xf32>
    tpu.vector_store %arg10[%swap3A_44, %swap3A_45], %add3A_43 {strides = array<i32>} : memref<64x1xf32, #tpu.memory_space<vmem>>, vector<64x1xf32>,
    %eq3A_47 = arith.constant 1 : i32
    %eq3A_48 = arith.cmpi eq, %arg0, %eq3A_47 : i32
    %convert_element_type3A_49 = arith.extui %eq3A_48 : i1 to i32
    %cond3A_50 = arith.constant 0 : i32
    %cond3A_51 = arith.cmpi ne, %convert_element_type3A_49, %cond3A_50 : i32
    scf.if %cond3A_51 {
      %get3A_52 = arith.constant 0 : index
      %get3A_53 = arith.constant 0 : index
      %get3A_54 = vector.load %arg9[%get3A_52, %get3A_53] : memref<64x32xf32, #tpu.memory_space<vmem>>, vector<64x32xf32>
      %get3A_55 = arith.constant 0 : index
      %get3A_56 = arith.constant 0 : index
      %get3A_57 = vector.load %arg10[%get3A_55, %get3A_56] : memref<64x1xf32, #tpu.memory_space<vmem>>, vector<64x1xf32>
      %max3A_58 = arith.constant 1.000000e+00 : f32
      %max3A_59 = vector.broadcast %max3A_58 : f32 to vector<64x1xf32>
      %max3A_60 = arith.maximumf %get3A_57, %max3A_59 : vector<64x1xf32>
      %div3A = vector.broadcast %max3A_60 : vector<64x1xf32> to vector<64x32xf32>
      %div3A_61 = arith.divf %get3A_54, %div3A : vector<64x32xf32>
      %get3A_62 = arith.constant 0 : index
      %get3A_63 = arith.constant 0 : index
      %get3A_64 = vector.load %arg6[%get3A_62, %get3A_63] : memref<32x1xf32, #tpu.memory_space<vmem>>, vector<32x1xf32>
      %dot_general3A_65 = arith.constant dense<0.000000e+00> : vector<64x1xf32>
      %dot_general3A_66 = tpu.matmul %div3A_61, %get3A_64, %dot_general3A_65 {dimension_numbers = #tpu.dot_dimension_numbers<[1], [0], [0], [1], [0, 0, 1, 1], [], []>, transpose_lhs_hint = false} : vector<64x32xf32>, vector<32x1xf32>, vector<64x1xf32> -> vector<64x1xf32>
      %get3A_67 = arith.constant 0 : index
      %get3A_68 = vector.load %arg7[%get3A_67] : memref<1xf32, #tpu.memory_space<vmem>>, vector<1xf32>
      %broadcast_in_dim3A_69 = vector.shape_cast %get3A_68 : vector<1xf32> to vector<1x1xf32>
      %add3A_70 = vector.broadcast %broadcast_in_dim3A_69 : vector<1x1xf32> to vector<64x1xf32>
      %add3A_71 = arith.addf %dot_general3A_66, %add3A_70 : vector<64x1xf32>
      %logistic3A = arith.negf %add3A_71 : vector<64x1xf32>
      %logistic3A_72 = math.exp %logistic3A : vector<64x1xf32>
      %logistic3A_73 = arith.constant 1.000000e+00 : f32
      %logistic3A_74 = vector.broadcast %logistic3A_73 : f32 to vector<64x1xf32>
      %logistic3A_75 = arith.addf %logistic3A_74, %logistic3A_72 : vector<64x1xf32>
      %logistic3A_76 = arith.divf %logistic3A_74, %logistic3A_75 : vector<64x1xf32>
      %swap3A_77 = arith.constant 0 : index
      %swap3A_78 = arith.constant 0 : index
      %swap3A_79 = vector.load %arg8[%swap3A_77, %swap3A_78] : memref<64x1xf32, #tpu.memory_space<vmem>>, vector<64x1xf32>
      tpu.vector_store %arg8[%swap3A_77, %swap3A_78], %logistic3A_76 {strides = array<i32>} : memref<64x1xf32, #tpu.memory_space<vmem>>, vector<64x1xf32>,
    } else {
    }
    return
  }
  func.func @transform_0(%arg0: i32) -> (i32, i32, i32) {
    %c0_i32 = arith.constant 0 : i32
    %c0_i32_0 = arith.constant 0 : i32
    %c0_i32_1 = arith.constant 0 : i32
    return %c0_i32, %arg0, %c0_i32_0 : i32, i32, i32
  }
  func.func @transform_1(%arg0: i32) -> (i32, i32) {
    %c0_i32 = arith.constant 0 : i32
    %c0_i32_0 = arith.constant 0 : i32
    return %arg0, %c0_i32 : i32, i32
  }
  func.func @transform_2(%arg0: i32) -> (i32, i32) {
    %c0_i32 = arith.constant 0 : i32
    %c0_i32_0 = arith.constant 0 : i32
    return %arg0, %c0_i32 : i32, i32
  }
  func.func @transform_3(%arg0: i32) -> i32 {
    %c0_i32 = arith.constant 0 : i32
    return %arg0 : i32
  }
  func.func @transform_4(%arg0: i32) -> i32 {
    %c0_i32 = arith.constant 0 : i32
    %c0_i32_0 = arith.constant 0 : i32
    return %c0_i32 : i32
  }
  func.func @transform_5(%arg0: i32) -> (i32, i32) {
    %c0_i32 = arith.constant 0 : i32
    %c0_i32_0 = arith.constant 0 : i32
    %c0_i32_1 = arith.constant 0 : i32
    return %c0_i32, %c0_i32_0 : i32, i32
  }
  func.func @transform_6(%arg0: i32) -> i32 {
    %c0_i32 = arith.constant 0 : i32
    %c0_i32_0 = arith.constant 0 : i32
    return %c0_i32 : i32
  }
  func.func @transform_7(%arg0: i32) -> (i32, i32) {
    %c0_i32 = arith.constant 0 : i32
    %c0_i32_0 = arith.constant 0 : i32
    %c0_i32_1 = arith.constant 0 : i32
    return %c0_i32, %c0_i32_0 : i32, i32
  }
}

</mosaic_0001>

<sc_bundles>
// kernel: kernel.10.cloned.1.call-start
scs
__scs_entry_jumppad:
0x0: {  	(pc) =	sbr.rel $0x88, $3  }
0x1: {  	(tag) =	ssettag $0x0;
	lr =	simm.s32 $0x1  }
0x2: {  	[smem:$0x3F9A] =	sst lr;
	_ =	strace $0xD0000000  }
0x3: {  	_ = 	snop  }
0x4: {  	_ = 	snop  }
0x5: {  	_ = 	snop  }
0x6: {  	_ = 	snop  }
0x7: {  	_ = 	snop  }
__scs_overlays_trampoline_lowered:
0x8: {  	[smem:$0x3FA9] =	sst s0  }
0x9: {  	[smem:$0x3FAA] =	sst s1  }
0xa: {  	[smem:$0x3FAB] =	sst s2  }
0xb: {  	[smem:$0x3FAC] =	sst s3  }
0xc: {  	[smem:$0x3FAD] =	sst s4  }
0xd: {  	[smem:$0x3FAE] =	sst s5  }
0xe: {  	[smem:$0x3FAF] =	sst s6  }
0xf: {  	[smem:$0x3FB0] =	sst s7  }
0x10: {  	[smem:$0x3FB1] =	sst s8  }
0x11: {  	[smem:$0x3FB2] =	sst s9;
	s0 =	simm.s32 @!p0 $0x0  }
0x12: {  	s1 =	sld [smem:$0x3F98];
	s0 =	simm.s32 @p0 $0x1  }
0x13: {  	[smem:$0x3FB3] =	sst s0;
	s0 =	simm.s32 @!p1 $0x0  }
0x14: {  	s2 =	sld [smem:$0x3F97];
	s0 =	simm.s32 @p1 $0x1  }
0x15: {  	[smem:$0x3FB4] =	sst s0;
	s0 =	simm.s32 @!p2 $0x0  }
0x16: {  	s3 =	sld [smem:$0x3FDB];
	s0 =	simm.s32 @p2 $0x1  }
0x17: {  	s4 =	simm.s32 $0x1BF5;
	[smem:$0x3FB6] =	sst s0  }
0x18: {  	s0 =	sld [smem:$0x3F99];
	_ =	swait.ge [sflag:s4], $0x0  }
0x19: {  	s7 =	sld [smem:$0x3F9A]  }
0x1a: {  	s8 =	sadd.s32 $0xFFFFE003, lr  }
0x1b: {  	s9 =	sadd.s32 $0xFFFFFEF7, lr;
	s5 =	simm.s32 $0xFFFFFFFF;
	p2 =	slt.u32 s8, $0xFFFFF086  }
0x1c: {  	p1 =	slt.u32 s9, $0xF7A;
	s5 =	simm.s32 @!p2 $0x0  }
0x1d: {  	s5 =	simm.s32 @p1 $0x1;
	p0 =	seq.s32 s7, s2  }
0x1e: {  	s7 =	smul.u32 @!p0 $0xF7A, s2;
	p2 =	seq.s32 @!p0 s5, $0x0  }
0x1f: {  	s9 =	smul.u32 $0xF7A, s1;
	s8 =	simm.s32 @!p0 $0x1BF5;
	p2 =	por !p2, p0  }
0x20: {  	[sflag:s8] =	ssyncset.s32 @!p0 $0xFFFFF086;
	s6 =	sadd.s32 @!p0 s3, s7;
	s7 =	simm.s32 @!p0 $0x108  }
0x21: {  	s3 =	sadd.s32 s3, s9;
	s6 =	sadd.s32 @!p0 $0x88, s6;
	s7 =	simm.s32 @p2 $0x1082  }
0x22: {  	[simem:s7], [sflag:s8] =	dma.local @!p0 [hbm:s6], $0xF7A  }
0x23: {  	s9 =	sor.u32 $0xD0000000, s2;
	s6 =	simm.s32 $0x108;
	_ =	swait.ge @!p0 [sflag:s8], $0x0  }
0x24: {  	s3 =	sadd.s32 $0x88, s3;
	s6 =	simm.s32 @!p1 $0x1082;
	[sflag:s4] =	ssyncset.s32 $0xFFFFF086  }
0x25: {  	[simem:s6], [sflag:s4] =	dma.local [hbm:s3], $0xF7A  }
0x26: {  	[smem:$0x3F9A] =	sst s1;
	(tag) =	ssettag s2;
	_ =	strace s9  }
0x27: {  	s1 =	sld [smem:$0x3FAA]  }
0x28: {  	s2 =	sld [smem:$0x3FAB]  }
0x29: {  	s4 =	sld [smem:$0x3FAD]  }
0x2a: {  	p0 =	seq.s32 s5, $0x0;
	s5 =	sld [smem:$0x3FAE]  }
0x2b: {  	s6 =	sld [smem:$0x3FAF]  }
0x2c: {  	s7 =	sld [smem:$0x3FB0]  }
0x2d: {  	s3 =	simm.s32 $0x108;
	s8 =	sld [smem:$0x3FB1]  }
0x2e: {  	s3 =	simm.s32 @!p0 $0x1082;
	s9 =	sld [smem:$0x3FB2]  }
0x2f: {  	lr =	sadd.s32 s0, s3;
	s0 =	sld [smem:$0x3FA9]  }
0x30: {  	s3 =	sld [smem:$0x3FAC]  }
0x31: {  	[smem:$0x3FB5] =	sst s10  }
0x32: {  	s10 =	sld [smem:$0x3FB3];
	_ =	sdelay $0x3  }
0x33: {  	p0 =	seq.s32 s10, $0x1;
	s10 =	sld [smem:$0x3FB5];
	_ =	sdelay $0x3  }
0x34: {  	[smem:$0x3FB5] =	sst s10  }
0x35: {  	s10 =	sld [smem:$0x3FB4];
	_ =	sdelay $0x3  }
0x36: {  	p1 =	seq.s32 s10, $0x1;
	s10 =	sld [smem:$0x3FB5];
	_ =	sdelay $0x3  }
0x37: {  	[smem:$0x3FB5] =	sst s10  }
0x38: {  	s10 =	sld [smem:$0x3FB6]  }
0x39: {  	_ = 	snop;
	(pc) =	sbr.ind lr, $3  }
0x3a: {  	_ = 	snop  }
0x3b: {  	_ = 	snop  }
0x3c: {  	p2 =	seq.s32 s10, $0x1;
	s10 =	sld [smem:$0x3FB5]  }
0x3d: {  	_ =	shalt  }
0x3e: {  	_ =	shalt  }
0x3f: {  	_ =	shalt  }
0x40: {  	_ =	shalt  }
0x41: {  	_ =	shalt  }
0x42: {  	_ =	shalt  }
0x43: {  	_ =	shalt  }
0x44: {  	_ =	shalt  }
0x45: {  	_ =	shalt  }
0x46: {  	_ =	shalt  }
0x47: {  	_ =	shalt  }
0x48: {  	_ =	shalt  }
0x49: {  	_ =	shalt  }
0x4a: {  	_ =	shalt  }
0x4b: {  	_ =	shalt  }
0x4c: {  	_ =	shalt  }
0x4d: {  	_ =	shalt  }
0x4e: {  	_ =	shalt  }
0x4f: {  	_ =	shalt  }
0x50: {  	_ =	shalt  }
0x51: {  	_ =	shalt  }
0x52: {  	_ =	shalt  }
0x53: {  	_ =	shalt  }
0x54: {  	_ =	shalt  }
0x55: {  	_ =	shalt  }
0x56: {  	_ =	shalt  }
0x57: {  	_ =	shalt  }
0x58: {  	_ =	shalt  }
0x59: {  	_ =	shalt  }
0x5a: {  	_ =	shalt  }
0x5b: {  	_ =	shalt  }
0x5c: {  	_ =	shalt  }
0x5d: {  	_ =	shalt  }
0x5e: {  	_ =	shalt  }
0x5f: {  	_ =	shalt  }
0x60: {  	_ =	shalt  }
0x61: {  	_ =	shalt  }
0x62: {  	_ =	shalt  }
0x63: {  	_ =	shalt  }
0x64: {  	_ =	shalt  }
0x65: {  	_ =	shalt  }
0x66: {  	_ =	shalt  }
0x67: {  	_ =	shalt  }
0x68: {  	_ =	shalt  }
0x69: {  	_ =	shalt  }
0x6a: {  	_ =	shalt  }
0x6b: {  	_ =	shalt  }
0x6c: {  	_ =	shalt  }
0x6d: {  	_ =	shalt  }
0x6e: {  	_ =	shalt  }
0x6f: {  	_ =	shalt  }
0x70: {  	_ =	shalt  }
0x71: {  	_ =	shalt  }
0x72: {  	_ =	shalt  }
0x73: {  	_ =	shalt  }
0x74: {  	_ =	shalt  }
0x75: {  	_ =	shalt  }
0x76: {  	_ =	shalt  }
0x77: {  	_ =	shalt  }
0x78: {  	_ =	shalt  }
0x79: {  	_ =	shalt  }
0x7a: {  	_ =	shalt  }
0x7b: {  	_ =	shalt  }
0x7c: {  	_ =	shalt  }
0x7d: {  	_ =	shalt  }
0x7e: {  	_ =	shalt  }
0x7f: {  	_ =	shalt  }
0x80: {  	_ =	shalt  }
0x81: {  	_ =	shalt  }
0x82: {  	_ =	shalt  }
0x83: {  	_ =	shalt  }
0x84: {  	_ =	shalt  }
0x85: {  	_ =	shalt  }
0x86: {  	_ =	shalt  }
0x87: {  	_ =	shalt  }
.Lfunc_end0:
.L_simem_size_0:
called_computation.1_lowered:
.L_overlay_start_0:
0x88: {  	s2 =	sld [smem:$0x3FD9]  }
0x89: {  	s3 =	sld [smem:$0x3FFE];
	_ =	sdelay $0x1  }
0x8a: {  	s1 =	srdreg.scid  }
0x8b: {  	s0 =	sand.u32 $0x1, s1  }
0x8c: {  	s16 =	sshll.u32 s0, $0xA;
	s2 =	sadd.s32 s3, s2  }
0x8d: {  	s2 =	sadd.s32 s2, s16  }
0x8e: {  	[smem:$0x3FC1] =	sst s2  }
0x8f: {  	_ = 	snop  }
0x90: {  	(tm) =	ssettm $0x1  }
0x91: {  	s17 =	sld [smem:$0x3FFB];
	_ =	sdelay $0x3  }
0x92: {  	_ =	strace s17  }
0x93: {  	s2 =	sld [smem:$0x3FFC];
	_ =	sdelay $0x3  }
0x94: {  	_ =	strace s2  }
0x95: {  	s2 =	sld [smem:$0x3FFD];
	_ =	sdelay $0x3  }
0x96: {  	_ =	strace s2  }
0x97: {  	_ =	strace $0x8FFFFFFF  }
0x98: {  	s18 =	sld [smem:$0x3FDB];
	_ =	sdelay $0x1  }
0x99: {  	s19 =	simm.s32 $_scs_section_size  }
0x9a: {  	s4 =	simm.s32 $_size__tile_overlayer_lowered;
	s5 =	simm.s32 $_tile_overlayer_lowered  }
0x9b: {  	s22 =	simm.s32 $0x1BFF;
	s21 =	sshll.u32 s5, $0x1;
	s2 =	sadd.s32 s19, s18  }
0x9c: {  	s6 =	simm.s32 $0x0;
	s20 =	sshll.u32 s4, $0x1;
	s4 =	sadd.s32 s21, s2  }
0x9d: {  	[timem:s6], [sflag:s22] =	dma.local [hbm:s4], s20  }
0x9e: {  	_ =	swait.ge [sflag:s22], s20  }
0x9f: {  	s3 =	ssub.s32 $0x0, s20;
	[sflag:s22] =	ssyncset.done $0x0  }
0xa0: {  	[sflag:s22] =	ssyncadd.s32 s3;
	_ =	sdelay $0x1  }
0xa1: {  	s23 =	simm.s32 $0x1B8B  }
0xa2: {  	_ =	swait.ge [sflag:s23], $0x1  }
0xa3: {  	[sflag:s23] =	ssyncset.done $0x0  }
0xa4: {  	s25 =	simm.s32 $0x1B8E;
	s24 =	sld [smem:$0x3FFE];
	[sflag:s23] =	ssyncadd.s32 $0xFFFFFFFF  }
0xa5: {  	s26 =	simm.s32 $execute0_lowered;
	[smem:$0x3FD2] =	sst s25  }
0xa6: {  	s4 =	sshll.u32 s26, $0x1;
	_ =	strace $0x80000049;
	[dreg:$0x1] =	wrdreg $0xFFFFFFFF  }
0xa7: {  	s28 =	simm.s32 $_size_execute0_lowered;
	s2 =	sadd.s32 s2, s4;
	[dreg:$0x0] =	wrdreg $0x0  }
0xa8: {  	s4 =	sshll.u32 s28, $0x1;
	[dreg:$0x2] =	wrdreg s2  }
0xa9: {  	[dreg:$0x3] =	wrdreg s4  }
0xaa: {  	[dreg:$0x4] =	wrdreg $0xC0  }
0xab: {  	_ =	task [dreg:s6], $0x5FFFF  }
0xac: {  	[dreg:$0x1] =	wrdreg $0xFFFFFFFF  }
0xad: {  	[dreg:$0x0] =	wrdreg $0x60  }
0xae: {  	[dreg:$0x2] =	wrdreg s24  }
0xaf: {  	[dreg:$0x3] =	wrdreg $0x198200  }
0xb0: {  	[dreg:$0x4] =	wrdreg $0x148200  }
0xb1: {  	[dreg:$0x5] =	wrdreg $0x9  }
0xb2: {  	_ =	task.clear_ibuf [dreg:s6], $0x6FFFF;
	_ =	strace $0x90000049  }
0xb3: {  	s29 =	simm.s32 $0x9;
	_ =	strace $0x8000004B  }
0xb4: {  	_ =	swait.ge [sflag:s29], $0x1  }
0xb5: {  	[sflag:s29] =	ssyncadd.s32 $0xFFFFFFFF  }
0xb6: {  	_ =	strace $0x9000004B  }
0xb7: {  	_ =	sfence  }
0xb8: {  	s30 =	sld [smem:$0x0];
	_ =	sdelay $0x2  }
0xb9: {  	s31 =	sshll.u32 s1, $0xD;
	s1 =	sshrl.u32 s1, $0x2  }
0xba: {  	s3 =	sand.u32 $0x4000, s31;
	s1 =	sadd.s32 s1, s30  }
0xbb: {  	s0 =	sor.u32 s3, s0;
	s1 =	sshll.u32 s1, $0x11  }
0xbc: {  	s0 =	sor.u32 s1, s0  }
0xbd: {  	s0 =	sadd.s32 $0x8F2B, s0  }
0xbe: {  	[sflag:s0] =	ssyncadd.remote.s32 $0x1  }
0xbf: {  	_ =	sfence.sel $0xFFFF  }
0xc0: {  	[dreg:$0x0] =	wrdreg $0xFFFFFFFF;
	(pc) =	sbr.abs _section_cstart, $3  }
0xc1: {  	[dreg:$0x1] =	wrdreg $0xFFFFFFFF  }
0xc2: {  	_ =	task.clear_ibuf [dreg:s6], $0x2FFFF;
	_ =	strace $0x9FFFFFFF  }
0xc3: {  	(tm) =	ssettm $0x7FFFFFFF  }
tec
execute0_lowered:
.L_overlay_start_1:
0x0: {  	(tag) =	ssettag $0x1  }
0x1: {  	s0 =	srdreg.scid  }
0x2: {  	s5 =	rddreg [dreg:$0x0];
	s15 =	stileid.u32;
	s1 =	sand.u32 $0x1, s0  }
0x3: {  	s2 =	rddreg [dreg:$0x1];
	s7 =	smul.u32 $0x5000, s15;
	s3 =	sshll.u32 s1, $0x4  }
0x4: {  	s9 =	smul.u32 $0x50000, s1;
	s4 =	sor.u32 s15, s3;
	s3 =	rddreg [dreg:$0x2]  }
0x5: {  	s8 =	sshrl.u32 s7, $0x3;
	s6 =	smul.u32 $0x2710, s4;
	s4 =	simm.s32 $0x0  }
0x6: {  	s8 =	sadd.s32 s8, s5;
	s9 =	sadd.s32 s7, s9;
	[smem:$0x7FF] =	sst s4  }
0x7: {  	s16 =	sadd.s32 $0x1F200, s8;
	s17 =	sadd.s32 $0x15200, s8;
	s6 =	sshrl.u32 s6, $0x3  }
0x8: {  	_ =	strace $0x8000004A;
	[dreg:$0x6] =	wrdreg s16;
	s6 =	sadd.s32 s6, s5  }
0x9: {  	s9 =	sshrl.u32 s9, $0x3;
	[dreg:$0x7] =	wrdreg s17;
	s10 =	sadd.s32 $0x1800, s6  }
0xa: {  	s5 =	sadd.s32 s9, s5;
	s6 =	sadd.s32 $0xB440, s6;
	[dreg:$0x4] =	wrdreg s10  }
0xb: {  	s5 =	sadd.s32 $0x29200, s5;
	[dreg:$0x5] =	wrdreg s6  }
0xc: {  	s18 =	sadd.s32 s7, s3;
	[dreg:$0x8] =	wrdreg s5  }
0xd: {  	s6 =	sshrl.u32 s18, $0x3;
	s19 =	rddreg [dreg:$0x4]  }
0xe: {  	s5 =	simm.s32 $0x3;
	[dreg:$0x9] =	wrdreg s6  }
0xf: {  	[tilespmem:s4], [sflag:$0x3] =	stream.linear.gather [hbm4b:s19+s4], $0x2710, $0x38;
	[tilespmem:$0x1E820] =	vst v63  }
0x10: {  	_ =	swait.ge [sflag:s5], $0x2710  }
0x11: {  	[sflag:s5] =	ssyncset.done $0x0  }
0x12: {  	s6 =	simm.s32 $0x2710;
	s20 =	rddreg [dreg:$0x5];
	[sflag:s5] =	ssyncadd.s32 $0xFFFFD8F0  }
0x13: {  	[tilespmem:s6], [sflag:$0x3] =	stream.linear.gather [hbm4b:s20+s4], $0x2710, $0x38;
	[tilespmem:$0x1E820] =	vst v63  }
0x14: {  	s23 =	sshll.u32 s15, $0x6;
	_ =	swait.ge [sflag:s5], $0x2710  }
0x15: {  	s22 =	sadd.s32 s7, s2;
	s7 =	sor.u32 $0x1C03, s23;
	[sflag:s5] =	ssyncset.done $0x0  }
0x16: {  	s8 =	sshrl.u32 s22, $0x3;
	s21 =	rddreg [dreg:$0x6];
	[sflag:s5] =	ssyncadd.s32 $0xFFFFD8F0  }
0x17: {  	[spmem:s8], [sflag:s7] =	dma.local [hbm:s21], $0xA00  }
0x18: {  	_ =	swait.ge [sflag:s5], $0xA00  }
0x19: {  	s24 =	rddreg [dreg:$0x7];
	[sflag:s5] =	ssyncset.done $0x0  }
0x1a: {  	s25 =	rddreg [dreg:$0x9];
	[sflag:s5] =	ssyncadd.s32 $0xFFFFF600  }
0x1b: {  	[spmem:s25], [sflag:s7] =	dma.local [hbm:s24], $0xA00  }
0x1c: {  	_ =	swait.ge [sflag:s5], $0xA00  }
0x1d: {  	[sflag:s5] =	ssyncset.done $0x0  }
0x1e: {  	[sflag:s5] =	ssyncadd.s32 $0xFFFFF600  }
0x1f: {  	s9 =	simm.s32 $0x3E8;
	s10 =	simm.s32 $0x4E20;
	[bflag:$0x0] =	sbarrier.arrive $0xFFFF  }
0x20: {  	[tilespmem:s10], [sflag:$0x1] =	stream.indirect.gather [spmem:s3], $0x20, s4, s9, $0xb8;
	[tilespmem:$0x1E820] =	vst v63  }
0x21: {  	s11 =	simm.s32 $0xCB20;
	s12 =	simm.s32 $0x1  }
0x22: {  	[tilespmem:s11], [sflag:$0x2] =	stream.indirect.gather [spmem:s3], $0x20, s9, s9, $0xb8;
	[tilespmem:$0x1E820] =	vst v63  }
0x23: {  	_ =	swait.ge [sflag:s12], $0x7D00  }
0x24: {  	[sflag:s12] =	ssyncset.done $0x0  }
0x25: {  	[sflag:s12] =	ssyncadd.s32 $0xFFFF8300  }
0x26: {  	[spmem:s2] =	stream.indirect.scatter.add.f32 [tilespmem:s10], [sflag:$0x3], $0x20, s6, s9, $0xb8;
	[tilespmem:$0x1E820] =	vst v63  }
0x27: {  	_ =	swait.ge [sflag:s5], $0x7D00  }
0x28: {  	[sflag:s5] =	ssyncset.done $0x0  }
0x29: {  	s26 =	simm.s32 $0x7D0;
	s14 =	simm.s32 $0x2;
	[sflag:s5] =	ssyncadd.s32 $0xFFFF8300  }
0x2a: {  	[tilespmem:s10], [sflag:$0x1] =	stream.indirect.gather [spmem:s3], $0x20, s26, s9, $0xb8;
	[tilespmem:$0x1E820] =	vst v63  }
0x2b: {  	_ =	swait.ge [sflag:s14], $0x7D00  }
0x2c: {  	[sflag:s14] =	ssyncset.done $0x0  }
0x2d: {  	s15 =	simm.s32 $0x2AF8;
	[sflag:s14] =	ssyncadd.s32 $0xFFFF8300  }
0x2e: {  	[spmem:s2] =	stream.indirect.scatter.add.f32 [tilespmem:s11], [sflag:$0x3], $0x20, s15, s9, $0xb8;
	[tilespmem:$0x1E820] =	vst v63  }
0x2f: {  	_ =	swait.ge [sflag:s5], $0x7D00  }
0x30: {  	[sflag:s5] =	ssyncset.done $0x0  }
0x31: {  	s16 =	simm.s32 $0xBB8;
	[sflag:s5] =	ssyncadd.s32 $0xFFFF8300  }
0x32: {  	[tilespmem:s11], [sflag:$0x2] =	stream.indirect.gather [spmem:s3], $0x20, s16, s9, $0xb8;
	[tilespmem:$0x1E820] =	vst v63  }
0x33: {  	_ =	swait.ge [sflag:s12], $0x7D00  }
0x34: {  	[sflag:s12] =	ssyncset.done $0x0  }
0x35: {  	s17 =	simm.s32 $0x2EE0;
	[sflag:s12] =	ssyncadd.s32 $0xFFFF8300  }
0x36: {  	[spmem:s2] =	stream.indirect.scatter.add.f32 [tilespmem:s10], [sflag:$0x3], $0x20, s17, s9, $0xb8;
	[tilespmem:$0x1E820] =	vst v63  }
0x37: {  	_ =	swait.ge [sflag:s5], $0x7D00  }
0x38: {  	[sflag:s5] =	ssyncset.done $0x0  }
0x39: {  	s18 =	simm.s32 $0xFA0;
	[sflag:s5] =	ssyncadd.s32 $0xFFFF8300  }
0x3a: {  	[tilespmem:s10], [sflag:$0x1] =	stream.indirect.gather [spmem:s3], $0x20, s18, s9, $0xb8;
	[tilespmem:$0x1E820] =	vst v63  }
0x3b: {  	_ =	swait.ge [sflag:s14], $0x7D00  }
0x3c: {  	[sflag:s14] =	ssyncset.done $0x0  }
0x3d: {  	s19 =	simm.s32 $0x32C8;
	[sflag:s14] =	ssyncadd.s32 $0xFFFF8300  }
0x3e: {  	[spmem:s2] =	stream.indirect.scatter.add.f32 [tilespmem:s11], [sflag:$0x3], $0x20, s19, s9, $0xb8;
	[tilespmem:$0x1E820] =	vst v63  }
0x3f: {  	_ =	swait.ge [sflag:s5], $0x7D00  }
0x40: {  	[sflag:s5] =	ssyncset.done $0x0  }
0x41: {  	s20 =	simm.s32 $0x1388;
	[sflag:s5] =	ssyncadd.s32 $0xFFFF8300  }
0x42: {  	[tilespmem:s11], [sflag:$0x2] =	stream.indirect.gather [spmem:s3], $0x20, s20, s9, $0xb8;
	[tilespmem:$0x1E820] =	vst v63  }
0x43: {  	_ =	swait.ge [sflag:s12], $0x7D00  }
0x44: {  	[sflag:s12] =	ssyncset.done $0x0  }
0x45: {  	s21 =	simm.s32 $0x36B0;
	[sflag:s12] =	ssyncadd.s32 $0xFFFF8300  }
0x46: {  	[spmem:s2] =	stream.indirect.scatter.add.f32 [tilespmem:s10], [sflag:$0x3], $0x20, s21, s9, $0xb8;
	[tilespmem:$0x1E820] =	vst v63  }
0x47: {  	_ =	swait.ge [sflag:s5], $0x7D00  }
0x48: {  	[sflag:s5] =	ssyncset.done $0x0  }
0x49: {  	s22 =	simm.s32 $0x1770;
	[sflag:s5] =	ssyncadd.s32 $0xFFFF8300  }
0x4a: {  	[tilespmem:s10], [sflag:$0x1] =	stream.indirect.gather [spmem:s3], $0x20, s22, s9, $0xb8;
	[tilespmem:$0x1E820] =	vst v63  }
0x4b: {  	_ =	swait.ge [sflag:s14], $0x7D00  }
0x4c: {  	[sflag:s14] =	ssyncset.done $0x0  }
0x4d: {  	s23 =	simm.s32 $0x3A98;
	[sflag:s14] =	ssyncadd.s32 $0xFFFF8300  }
0x4e: {  	[spmem:s2] =	stream.indirect.scatter.add.f32 [tilespmem:s11], [sflag:$0x3], $0x20, s23, s9, $0xb8;
	[tilespmem:$0x1E820] =	vst v63  }
0x4f: {  	_ =	swait.ge [sflag:s5], $0x7D00  }
0x50: {  	[sflag:s5] =	ssyncset.done $0x0  }
0x51: {  	s24 =	simm.s32 $0x1B58;
	[sflag:s5] =	ssyncadd.s32 $0xFFFF8300  }
0x52: {  	[tilespmem:s11], [sflag:$0x2] =	stream.indirect.gather [spmem:s3], $0x20, s24, s9, $0xb8;
	[tilespmem:$0x1E820] =	vst v63  }
0x53: {  	_ =	swait.ge [sflag:s12], $0x7D00  }
0x54: {  	[sflag:s12] =	ssyncset.done $0x0  }
0x55: {  	s25 =	simm.s32 $0x3E80;
	[sflag:s12] =	ssyncadd.s32 $0xFFFF8300  }
0x56: {  	[spmem:s2] =	stream.indirect.scatter.add.f32 [tilespmem:s10], [sflag:$0x3], $0x20, s25, s9, $0xb8;
	[tilespmem:$0x1E820] =	vst v63  }
0x57: {  	_ =	swait.ge [sflag:s5], $0x7D00  }
0x58: {  	[sflag:s5] =	ssyncset.done $0x0  }
0x59: {  	s26 =	simm.s32 $0x1F40;
	[sflag:s5] =	ssyncadd.s32 $0xFFFF8300  }
0x5a: {  	[tilespmem:s10], [sflag:$0x1] =	stream.indirect.gather [spmem:s3], $0x20, s26, s9, $0xb8;
	[tilespmem:$0x1E820] =	vst v63  }
0x5b: {  	_ =	swait.ge [sflag:s14], $0x7D00  }
0x5c: {  	[sflag:s14] =	ssyncset.done $0x0  }
0x5d: {  	s28 =	simm.s32 $0x4268;
	[sflag:s14] =	ssyncadd.s32 $0xFFFF8300  }
0x5e: {  	[spmem:s2] =	stream.indirect.scatter.add.f32 [tilespmem:s11], [sflag:$0x3], $0x20, s28, s9, $0xb8;
	[tilespmem:$0x1E820] =	vst v63  }
0x5f: {  	_ =	swait.ge [sflag:s5], $0x7D00  }
0x60: {  	[sflag:s5] =	ssyncset.done $0x0  }
0x61: {  	s29 =	simm.s32 $0x2328;
	[sflag:s5] =	ssyncadd.s32 $0xFFFF8300  }
0x62: {  	[tilespmem:s11], [sflag:$0x2] =	stream.indirect.gather [spmem:s3], $0x20, s29, s9, $0xb8;
	[tilespmem:$0x1E820] =	vst v63  }
0x63: {  	_ =	swait.ge [sflag:s12], $0x7D00  }
0x64: {  	[sflag:s12] =	ssyncset.done $0x0  }
0x65: {  	s30 =	simm.s32 $0x4650;
	[sflag:s12] =	ssyncadd.s32 $0xFFFF8300  }
0x66: {  	[spmem:s2] =	stream.indirect.scatter.add.f32 [tilespmem:s10], [sflag:$0x3], $0x20, s30, s9, $0xb8;
	[tilespmem:$0x1E820] =	vst v63  }
0x67: {  	_ =	swait.ge [sflag:s5], $0x7D00  }
0x68: {  	[sflag:s5] =	ssyncset.done $0x0  }
0x69: {  	[sflag:s5] =	ssyncadd.s32 $0xFFFF8300  }
0x6a: {  	s1 =	ssub.s32 $0x2, s1;
	_ =	swait.ge [sflag:s14], $0x7D00  }
0x6b: {  	s0 =	sshrl.u32 s1, $0x1;
	[sflag:s14] =	ssyncset.done $0x0  }
0x6c: {  	s31 =	simm.s32 $0x4A38;
	s0 =	ssub.s32 s1, s0;
	[sflag:s14] =	ssyncadd.s32 $0xFFFF8300  }
0x6d: {  	[spmem:s2] =	stream.indirect.scatter.add.f32 [tilespmem:s11], [sflag:$0x3], $0x20, s31, s9, $0xb8;
	[tilespmem:$0x1E820] =	vst v63  }
0x6e: {  	s0 =	smax.u32 s0, $0x1;
	_ =	swait.ge [sflag:s5], $0x7D00  }
0x6f: {  	p0 =	sne.s32 s0, $0x1;
	[sflag:s5] =	ssyncset.done $0x0  }
.Ltmp0:
0x70: {  	[sflag:s5] =	ssyncadd.s32 $0xFFFF8300;
	(pc) =	sbr.rel @!p0 .LBB2_2-.Ltmp0, $4  }
0x71: {  	[bflag:$0x0] =	sbarrier.arrive $0xFFFF  }
0x72: {  	s13 =	rddreg [dreg:$0x8]  }
0x73: {  	[hbm:s13], [sflag:s7] =	dma.local [spmem:s8], $0xA00  }
0x74: {  	s1 =	sadd.s32 $0xFFFFFFFF, s0;
	_ =	swait.ge [sflag:s5], $0xA00  }
.LBB2_1:
0x75: {  	[sflag:s5] =	ssyncset.done $0x0  }
0x76: {  	s0 =	rddreg [dreg:$0x4];
	[sflag:s5] =	ssyncadd.s32 $0xFFFFF600  }
0x77: {  	[tilespmem:s4], [sflag:$0x3] =	stream.linear.gather [hbm4b:s0+s4], $0x2710, $0x38;
	[tilespmem:$0x1E820] =	vst v63  }
0x78: {  	_ =	swait.ge [sflag:s5], $0x2710  }
0x79: {  	[sflag:s5] =	ssyncset.done $0x0  }
0x7a: {  	s13 =	rddreg [dreg:$0x5];
	[sflag:s5] =	ssyncadd.s32 $0xFFFFD8F0  }
0x7b: {  	[tilespmem:s6], [sflag:$0x3] =	stream.linear.gather [hbm4b:s13+s4], $0x2710, $0x38;
	[tilespmem:$0x1E820] =	vst v63  }
0x7c: {  	_ =	swait.ge [sflag:s5], $0x2710  }
0x7d: {  	[sflag:s5] =	ssyncset.done $0x0  }
0x7e: {  	s13 =	rddreg [dreg:$0x6];
	[sflag:s5] =	ssyncadd.s32 $0xFFFFD8F0  }
0x7f: {  	[spmem:s8], [sflag:s7] =	dma.local [hbm:s13], $0xA00  }
0x80: {  	_ =	swait.ge [sflag:s5], $0xA00  }
0x81: {  	[sflag:s5] =	ssyncset.done $0x0;
	s0 =	rddreg [dreg:$0x7]  }
0x82: {  	s13 =	rddreg [dreg:$0x9];
	[sflag:s5] =	ssyncadd.s32 $0xFFFFF600  }
0x83: {  	[spmem:s13], [sflag:s7] =	dma.local [hbm:s0], $0xA00  }
0x84: {  	_ =	swait.ge [sflag:s5], $0xA00  }
0x85: {  	[sflag:s5] =	ssyncset.done $0x0  }
0x86: {  	[sflag:s5] =	ssyncadd.s32 $0xFFFFF600  }
0x87: {  	[bflag:$0x0] =	sbarrier.arrive $0xFFFF  }
0x88: {  	[tilespmem:s10], [sflag:$0x1] =	stream.indirect.gather [spmem:s3], $0x20, s4, s9, $0xb8;
	[tilespmem:$0x1E820] =	vst v63  }
0x89: {  	_ = 	snop  }
0x8a: {  	[tilespmem:s11], [sflag:$0x2] =	stream.indirect.gather [spmem:s3], $0x20, s9, s9, $0xb8;
	[tilespmem:$0x1E820] =	vst v63  }
0x8b: {  	_ =	swait.ge [sflag:s12], $0x7D00  }
0x8c: {  	[sflag:s12] =	ssyncset.done $0x0  }
0x8d: {  	[sflag:s12] =	ssyncadd.s32 $0xFFFF8300  }
0x8e: {  	[spmem:s2] =	stream.indirect.scatter.add.f32 [tilespmem:s10], [sflag:$0x3], $0x20, s6, s9, $0xb8;
	[tilespmem:$0x1E820] =	vst v63  }
0x8f: {  	_ =	swait.ge [sflag:s5], $0x7D00  }
0x90: {  	[sflag:s5] =	ssyncset.done $0x0  }
0x91: {  	s13 =	simm.s32 $0x7D0;
	[sflag:s5] =	ssyncadd.s32 $0xFFFF8300  }
0x92: {  	[tilespmem:s10], [sflag:$0x1] =	stream.indirect.gather [spmem:s3], $0x20, s13, s9, $0xb8;
	[tilespmem:$0x1E820] =	vst v63  }
0x93: {  	_ =	swait.ge [sflag:s14], $0x7D00  }
0x94: {  	[sflag:s14] =	ssyncset.done $0x0  }
0x95: {  	[sflag:s14] =	ssyncadd.s32 $0xFFFF8300  }
0x96: {  	[spmem:s2] =	stream.indirect.scatter.add.f32 [tilespmem:s11], [sflag:$0x3], $0x20, s15, s9, $0xb8;
	[tilespmem:$0x1E820] =	vst v63  }
0x97: {  	_ =	swait.ge [sflag:s5], $0x7D00  }
0x98: {  	[sflag:s5] =	ssyncset.done $0x0  }
0x99: {  	[sflag:s5] =	ssyncadd.s32 $0xFFFF8300  }
0x9a: {  	[tilespmem:s11], [sflag:$0x2] =	stream.indirect.gather [spmem:s3], $0x20, s16, s9, $0xb8;
	[tilespmem:$0x1E820] =	vst v63  }
0x9b: {  	_ =	swait.ge [sflag:s12], $0x7D00  }
0x9c: {  	[sflag:s12] =	ssyncset.done $0x0  }
0x9d: {  	[sflag:s12] =	ssyncadd.s32 $0xFFFF8300  }
0x9e: {  	[spmem:s2] =	stream.indirect.scatter.add.f32 [tilespmem:s10], [sflag:$0x3], $0x20, s17, s9, $0xb8;
	[tilespmem:$0x1E820] =	vst v63  }
0x9f: {  	_ =	swait.ge [sflag:s5], $0x7D00  }
0xa0: {  	[sflag:s5] =	ssyncset.done $0x0  }
0xa1: {  	[sflag:s5] =	ssyncadd.s32 $0xFFFF8300  }
0xa2: {  	[tilespmem:s10], [sflag:$0x1] =	stream.indirect.gather [spmem:s3], $0x20, s18, s9, $0xb8;
	[tilespmem:$0x1E820] =	vst v63  }
0xa3: {  	_ =	swait.ge [sflag:s14], $0x7D00  }
0xa4: {  	[sflag:s14] =	ssyncset.done $0x0  }
0xa5: {  	[sflag:s14] =	ssyncadd.s32 $0xFFFF8300  }
0xa6: {  	[spmem:s2] =	stream.indirect.scatter.add.f32 [tilespmem:s11], [sflag:$0x3], $0x20, s19, s9, $0xb8;
	[tilespmem:$0x1E820] =	vst v63  }
0xa7: {  	_ =	swait.ge [sflag:s5], $0x7D00  }
0xa8: {  	[sflag:s5] =	ssyncset.done $0x0  }
0xa9: {  	[sflag:s5] =	ssyncadd.s32 $0xFFFF8300  }
0xaa: {  	[tilespmem:s11], [sflag:$0x2] =	stream.indirect.gather [spmem:s3], $0x20, s20, s9, $0xb8;
	[tilespmem:$0x1E820] =	vst v63  }
0xab: {  	_ =	swait.ge [sflag:s12], $0x7D00  }
0xac: {  	[sflag:s12] =	ssyncset.done $0x0  }
0xad: {  	[sflag:s12] =	ssyncadd.s32 $0xFFFF8300  }
0xae: {  	[spmem:s2] =	stream.indirect.scatter.add.f32 [tilespmem:s10], [sflag:$0x3], $0x20, s21, s9, $0xb8;
	[tilespmem:$0x1E820] =	vst v63  }
0xaf: {  	_ =	swait.ge [sflag:s5], $0x7D00  }
0xb0: {  	[sflag:s5] =	ssyncset.done $0x0  }
0xb1: {  	[sflag:s5] =	ssyncadd.s32 $0xFFFF8300  }
0xb2: {  	[tilespmem:s10], [sflag:$0x1] =	stream.indirect.gather [spmem:s3], $0x20, s22, s9, $0xb8;
	[tilespmem:$0x1E820] =	vst v63  }
0xb3: {  	_ =	swait.ge [sflag:s14], $0x7D00  }
0xb4: {  	[sflag:s14] =	ssyncset.done $0x0  }
0xb5: {  	[sflag:s14] =	ssyncadd.s32 $0xFFFF8300  }
0xb6: {  	[spmem:s2] =	stream.indirect.scatter.add.f32 [tilespmem:s11], [sflag:$0x3], $0x20, s23, s9, $0xb8;
	[tilespmem:$0x1E820] =	vst v63  }
0xb7: {  	_ =	swait.ge [sflag:s5], $0x7D00  }
0xb8: {  	[sflag:s5] =	ssyncset.done $0x0  }
0xb9: {  	[sflag:s5] =	ssyncadd.s32 $0xFFFF8300  }
0xba: {  	[tilespmem:s11], [sflag:$0x2] =	stream.indirect.gather [spmem:s3], $0x20, s24, s9, $0xb8;
	[tilespmem:$0x1E820] =	vst v63  }
0xbb: {  	_ =	swait.ge [sflag:s12], $0x7D00  }
0xbc: {  	[sflag:s12] =	ssyncset.done $0x0  }
0xbd: {  	[sflag:s12] =	ssyncadd.s32 $0xFFFF8300  }
0xbe: {  	[spmem:s2] =	stream.indirect.scatter.add.f32 [tilespmem:s10], [sflag:$0x3], $0x20, s25, s9, $0xb8;
	[tilespmem:$0x1E820] =	vst v63  }
0xbf: {  	_ =	swait.ge [sflag:s5], $0x7D00  }
0xc0: {  	[sflag:s5] =	ssyncset.done $0x0  }
0xc1: {  	[sflag:s5] =	ssyncadd.s32 $0xFFFF8300  }
0xc2: {  	[tilespmem:s10], [sflag:$0x1] =	stream.indirect.gather [spmem:s3], $0x20, s26, s9, $0xb8;
	[tilespmem:$0x1E820] =	vst v63  }
0xc3: {  	_ =	swait.ge [sflag:s14], $0x7D00  }
0xc4: {  	[sflag:s14] =	ssyncset.done $0x0  }
0xc5: {  	[sflag:s14] =	ssyncadd.s32 $0xFFFF8300  }
0xc6: {  	[spmem:s2] =	stream.indirect.scatter.add.f32 [tilespmem:s11], [sflag:$0x3], $0x20, s28, s9, $0xb8;
	[tilespmem:$0x1E820] =	vst v63  }
0xc7: {  	_ =	swait.ge [sflag:s5], $0x7D00  }
0xc8: {  	[sflag:s5] =	ssyncset.done $0x0  }
0xc9: {  	[sflag:s5] =	ssyncadd.s32 $0xFFFF8300  }
0xca: {  	[tilespmem:s11], [sflag:$0x2] =	stream.indirect.gather [spmem:s3], $0x20, s29, s9, $0xb8;
	[tilespmem:$0x1E820] =	vst v63  }
0xcb: {  	_ =	swait.ge [sflag:s12], $0x7D00  }
0xcc: {  	[sflag:s12] =	ssyncset.done $0x0  }
0xcd: {  	[sflag:s12] =	ssyncadd.s32 $0xFFFF8300  }
0xce: {  	[spmem:s2] =	stream.indirect.scatter.add.f32 [tilespmem:s10], [sflag:$0x3], $0x20, s30, s9, $0xb8;
	[tilespmem:$0x1E820] =	vst v63  }
0xcf: {  	_ =	swait.ge [sflag:s5], $0x7D00  }
0xd0: {  	[sflag:s5] =	ssyncset.done $0x0  }
0xd1: {  	[sflag:s5] =	ssyncadd.s32 $0xFFFF8300  }
0xd2: {  	_ =	swait.ge [sflag:s14], $0x7D00  }
0xd3: {  	[sflag:s14] =	ssyncset.done $0x0  }
0xd4: {  	[sflag:s14] =	ssyncadd.s32 $0xFFFF8300  }
0xd5: {  	[spmem:s2] =	stream.indirect.scatter.add.f32 [tilespmem:s11], [sflag:$0x3], $0x20, s31, s9, $0xb8;
	[tilespmem:$0x1E820] =	vst v63  }
0xd6: {  	_ =	swait.ge [sflag:s5], $0x7D00  }
0xd7: {  	p0 =	sne.s32 s1, $0x1;
	[sflag:s5] =	ssyncset.done $0x0  }
.Ltmp1:
0xd8: {  	[sflag:s5] =	ssyncadd.s32 $0xFFFF8300;
	(pc) =	sbr.rel @p0 .LBB2_1-.Ltmp1, $4  }
0xd9: {  	[bflag:$0x0] =	sbarrier.arrive $0xFFFF  }
0xda: {  	s13 =	rddreg [dreg:$0x8]  }
0xdb: {  	[hbm:s13], [sflag:s7] =	dma.local [spmem:s8], $0xA00  }
0xdc: {  	s1 =	sadd.s32 $0xFFFFFFFF, s1;
	_ =	swait.ge [sflag:s5], $0xA00  }
.LBB2_2:
0xdd: {  	[sflag:s5] =	ssyncset.done $0x0  }
0xde: {  	[sflag:s5] =	ssyncadd.s32 $0xFFFFF600  }
0xdf: {  	_ =	sfence.sel $0x180000  }
0xe0: {  	[bflag:$0x0] =	sbarrier.arrive $0xFFFF  }
0xe1: {  	_ =	strace $0x9000004A  }
0xe2: {  	s0 =	stileid.u32;
	[bflag:$0x2] =	sbarrier.arrive $0xFFFF  }
0xe3: {  	p0 =	sne.s32 s0, $0x0;
	s0 =	rddreg [dreg:$0x3]  }
0xe4: {  	s0 =	sadd.s32 @!p0 $0x100000, s0  }
0xe5: {  	[sflag:s0] =	ssyncadd.tile.s32 @!p0 $0x1;
	_ =	shalt  }
.Lfunc_end2:
_tile_overlayer_lowered:
.L_overlay_start_2:
0xe6: {  	(tag) =	ssettag $0x2  }
0xe7: {  	s0 =	rddreg [dreg:$0x0];
	s2 =	stileid.u32  }
0xe8: {  	s1 =	rddreg [dreg:$0x1];
	p0 =	sne.s32 s2, $0x0  }
0xe9: {  	s3 =	rddreg [dreg:$0x2];
	[bflag:$0x3] =	sbarrier.arrive $0xFFFF;
	s2 =	simm.s32 @!p0 $0x1C03  }
0xea: {  	[timem:s3], [sflag:s2] =	dma.local @!p0 [hbm:s0], s1  }
0xeb: {  	s0 =	simm.s32 @!p0 $0x3  }
0xec: {  	_ =	swait.ge @!p0 [sflag:s0], s1  }
0xed: {  	s1 =	ssub.s32 @!p0 $0x0, s1;
	[sflag:s0] =	ssyncset.done @!p0 $0x0  }
0xee: {  	[sflag:s0] =	ssyncadd.s32 @!p0 s1  }
0xef: {  	[bflag:$0x3] =	sbarrier.arrive $0xFFFF  }
0xf0: {  	_ =	shalt  }

// kernel: kernel.7.cloned.1.call-start
scs
__scs_entry_jumppad:
0x0: {  	(pc) =	sbr.rel $0x88, $3  }
0x1: {  	(tag) =	ssettag $0x0;
	lr =	simm.s32 $0x1  }
0x2: {  	[smem:$0x3F9A] =	sst lr;
	_ =	strace $0xD0000000  }
0x3: {  	_ = 	snop  }
0x4: {  	_ = 	snop  }
0x5: {  	_ = 	snop  }
0x6: {  	_ = 	snop  }
0x7: {  	_ = 	snop  }
__scs_overlays_trampoline_lowered:
0x8: {  	[smem:$0x3FA9] =	sst s0  }
0x9: {  	[smem:$0x3FAA] =	sst s1  }
0xa: {  	[smem:$0x3FAB] =	sst s2  }
0xb: {  	[smem:$0x3FAC] =	sst s3  }
0xc: {  	[smem:$0x3FAD] =	sst s4  }
0xd: {  	[smem:$0x3FAE] =	sst s5  }
0xe: {  	[smem:$0x3FAF] =	sst s6  }
0xf: {  	[smem:$0x3FB0] =	sst s7  }
0x10: {  	[smem:$0x3FB1] =	sst s8  }
0x11: {  	[smem:$0x3FB2] =	sst s9;
	s0 =	simm.s32 @!p0 $0x0  }
0x12: {  	s1 =	sld [smem:$0x3F98];
	s0 =	simm.s32 @p0 $0x1  }
0x13: {  	[smem:$0x3FB3] =	sst s0;
	s0 =	simm.s32 @!p1 $0x0  }
0x14: {  	s2 =	sld [smem:$0x3F97];
	s0 =	simm.s32 @p1 $0x1  }
0x15: {  	[smem:$0x3FB4] =	sst s0;
	s0 =	simm.s32 @!p2 $0x0  }
0x16: {  	s3 =	sld [smem:$0x3FDB];
	s0 =	simm.s32 @p2 $0x1  }
0x17: {  	s4 =	simm.s32 $0x1BF5;
	[smem:$0x3FB6] =	sst s0  }
0x18: {  	s0 =	sld [smem:$0x3F99];
	_ =	swait.ge [sflag:s4], $0x0  }
0x19: {  	s7 =	sld [smem:$0x3F9A]  }
0x1a: {  	s8 =	sadd.s32 $0xFFFFE003, lr  }
0x1b: {  	s9 =	sadd.s32 $0xFFFFFEF7, lr;
	s5 =	simm.s32 $0xFFFFFFFF;
	p2 =	slt.u32 s8, $0xFFFFF086  }
0x1c: {  	p1 =	slt.u32 s9, $0xF7A;
	s5 =	simm.s32 @!p2 $0x0  }
0x1d: {  	s5 =	simm.s32 @p1 $0x1;
	p0 =	seq.s32 s7, s2  }
0x1e: {  	s7 =	smul.u32 @!p0 $0xF7A, s2;
	p2 =	seq.s32 @!p0 s5, $0x0  }
0x1f: {  	s9 =	smul.u32 $0xF7A, s1;
	s8 =	simm.s32 @!p0 $0x1BF5;
	p2 =	por !p2, p0  }
0x20: {  	[sflag:s8] =	ssyncset.s32 @!p0 $0xFFFFF086;
	s6 =	sadd.s32 @!p0 s3, s7;
	s7 =	simm.s32 @!p0 $0x108  }
0x21: {  	s3 =	sadd.s32 s3, s9;
	s6 =	sadd.s32 @!p0 $0x88, s6;
	s7 =	simm.s32 @p2 $0x1082  }
0x22: {  	[simem:s7], [sflag:s8] =	dma.local @!p0 [hbm:s6], $0xF7A  }
0x23: {  	s9 =	sor.u32 $0xD0000000, s2;
	s6 =	simm.s32 $0x108;
	_ =	swait.ge @!p0 [sflag:s8], $0x0  }
0x24: {  	s3 =	sadd.s32 $0x88, s3;
	s6 =	simm.s32 @!p1 $0x1082;
	[sflag:s4] =	ssyncset.s32 $0xFFFFF086  }
0x25: {  	[simem:s6], [sflag:s4] =	dma.local [hbm:s3], $0xF7A  }
0x26: {  	[smem:$0x3F9A] =	sst s1;
	(tag) =	ssettag s2;
	_ =	strace s9  }
0x27: {  	s1 =	sld [smem:$0x3FAA]  }
0x28: {  	s2 =	sld [smem:$0x3FAB]  }
0x29: {  	s4 =	sld [smem:$0x3FAD]  }
0x2a: {  	p0 =	seq.s32 s5, $0x0;
	s5 =	sld [smem:$0x3FAE]  }
0x2b: {  	s6 =	sld [smem:$0x3FAF]  }
0x2c: {  	s7 =	sld [smem:$0x3FB0]  }
0x2d: {  	s3 =	simm.s32 $0x108;
	s8 =	sld [smem:$0x3FB1]  }
0x2e: {  	s3 =	simm.s32 @!p0 $0x1082;
	s9 =	sld [smem:$0x3FB2]  }
0x2f: {  	lr =	sadd.s32 s0, s3;
	s0 =	sld [smem:$0x3FA9]  }
0x30: {  	s3 =	sld [smem:$0x3FAC]  }
0x31: {  	[smem:$0x3FB5] =	sst s10  }
0x32: {  	s10 =	sld [smem:$0x3FB3];
	_ =	sdelay $0x3  }
0x33: {  	p0 =	seq.s32 s10, $0x1;
	s10 =	sld [smem:$0x3FB5];
	_ =	sdelay $0x3  }
0x34: {  	[smem:$0x3FB5] =	sst s10  }
0x35: {  	s10 =	sld [smem:$0x3FB4];
	_ =	sdelay $0x3  }
0x36: {  	p1 =	seq.s32 s10, $0x1;
	s10 =	sld [smem:$0x3FB5];
	_ =	sdelay $0x3  }
0x37: {  	[smem:$0x3FB5] =	sst s10  }
0x38: {  	s10 =	sld [smem:$0x3FB6]  }
0x39: {  	_ = 	snop;
	(pc) =	sbr.ind lr, $3  }
0x3a: {  	_ = 	snop  }
0x3b: {  	_ = 	snop  }
0x3c: {  	p2 =	seq.s32 s10, $0x1;
	s10 =	sld [smem:$0x3FB5]  }
0x3d: {  	_ =	shalt  }
0x3e: {  	_ =	shalt  }
0x3f: {  	_ =	shalt  }
0x40: {  	_ =	shalt  }
0x41: {  	_ =	shalt  }
0x42: {  	_ =	shalt  }
0x43: {  	_ =	shalt  }
0x44: {  	_ =	shalt  }
0x45: {  	_ =	shalt  }
0x46: {  	_ =	shalt  }
0x47: {  	_ =	shalt  }
0x48: {  	_ =	shalt  }
0x49: {  	_ =	shalt  }
0x4a: {  	_ =	shalt  }
0x4b: {  	_ =	shalt  }
0x4c: {  	_ =	shalt  }
0x4d: {  	_ =	shalt  }
0x4e: {  	_ =	shalt  }
0x4f: {  	_ =	shalt  }
0x50: {  	_ =	shalt  }
0x51: {  	_ =	shalt  }
0x52: {  	_ =	shalt  }
0x53: {  	_ =	shalt  }
0x54: {  	_ =	shalt  }
0x55: {  	_ =	shalt  }
0x56: {  	_ =	shalt  }
0x57: {  	_ =	shalt  }
0x58: {  	_ =	shalt  }
0x59: {  	_ =	shalt  }
0x5a: {  	_ =	shalt  }
0x5b: {  	_ =	shalt  }
0x5c: {  	_ =	shalt  }
0x5d: {  	_ =	shalt  }
0x5e: {  	_ =	shalt  }
0x5f: {  	_ =	shalt  }
0x60: {  	_ =	shalt  }
0x61: {  	_ =	shalt  }
0x62: {  	_ =	shalt  }
0x63: {  	_ =	shalt  }
0x64: {  	_ =	shalt  }
0x65: {  	_ =	shalt  }
0x66: {  	_ =	shalt  }
0x67: {  	_ =	shalt  }
0x68: {  	_ =	shalt  }
0x69: {  	_ =	shalt  }
0x6a: {  	_ =	shalt  }
0x6b: {  	_ =	shalt  }
0x6c: {  	_ =	shalt  }
0x6d: {  	_ =	shalt  }
0x6e: {  	_ =	shalt  }
0x6f: {  	_ =	shalt  }
0x70: {  	_ =	shalt  }
0x71: {  	_ =	shalt  }
0x72: {  	_ =	shalt  }
0x73: {  	_ =	shalt  }
0x74: {  	_ =	shalt  }
0x75: {  	_ =	shalt  }
0x76: {  	_ =	shalt  }
0x77: {  	_ =	shalt  }
0x78: {  	_ =	shalt  }
0x79: {  	_ =	shalt  }
0x7a: {  	_ =	shalt  }
0x7b: {  	_ =	shalt  }
0x7c: {  	_ =	shalt  }
0x7d: {  	_ =	shalt  }
0x7e: {  	_ =	shalt  }
0x7f: {  	_ =	shalt  }
0x80: {  	_ =	shalt  }
0x81: {  	_ =	shalt  }
0x82: {  	_ =	shalt  }
0x83: {  	_ =	shalt  }
0x84: {  	_ =	shalt  }
0x85: {  	_ =	shalt  }
0x86: {  	_ =	shalt  }
0x87: {  	_ =	shalt  }
.Lfunc_end0:
.L_simem_size_0:
called_computation_lowered:
.L_overlay_start_0:
0x88: {  	s2 =	sld [smem:$0x3FD9]  }
0x89: {  	s3 =	sld [smem:$0x3FFE];
	_ =	sdelay $0x1  }
0x8a: {  	s1 =	srdreg.scid  }
0x8b: {  	s0 =	sand.u32 $0x1, s1  }
0x8c: {  	s16 =	sshll.u32 s0, $0xA;
	s2 =	sadd.s32 s3, s2  }
0x8d: {  	s2 =	sadd.s32 s2, s16  }
0x8e: {  	[smem:$0x3FC1] =	sst s2  }
0x8f: {  	_ = 	snop  }
0x90: {  	(tm) =	ssettm $0x1  }
0x91: {  	s17 =	sld [smem:$0x3FFB];
	_ =	sdelay $0x3  }
0x92: {  	_ =	strace s17  }
0x93: {  	s2 =	sld [smem:$0x3FFC];
	_ =	sdelay $0x3  }
0x94: {  	_ =	strace s2  }
0x95: {  	s2 =	sld [smem:$0x3FFD];
	_ =	sdelay $0x3  }
0x96: {  	_ =	strace s2  }
0x97: {  	_ =	strace $0x8FFFFFFF  }
0x98: {  	s18 =	sld [smem:$0x3FDB];
	_ =	sdelay $0x1  }
0x99: {  	s19 =	simm.s32 $_scs_section_size  }
0x9a: {  	s4 =	simm.s32 $_size__tile_overlayer_lowered;
	s5 =	simm.s32 $_tile_overlayer_lowered  }
0x9b: {  	s22 =	simm.s32 $0x1BFF;
	s21 =	sshll.u32 s5, $0x1;
	s2 =	sadd.s32 s19, s18  }
0x9c: {  	s6 =	simm.s32 $0x0;
	s20 =	sshll.u32 s4, $0x1;
	s4 =	sadd.s32 s21, s2  }
0x9d: {  	[timem:s6], [sflag:s22] =	dma.local [hbm:s4], s20  }
0x9e: {  	_ =	swait.ge [sflag:s22], s20  }
0x9f: {  	s3 =	ssub.s32 $0x0, s20;
	[sflag:s22] =	ssyncset.done $0x0  }
0xa0: {  	[sflag:s22] =	ssyncadd.s32 s3;
	_ =	sdelay $0x1  }
0xa1: {  	s23 =	simm.s32 $0x1B8B  }
0xa2: {  	_ =	swait.ge [sflag:s23], $0x1  }
0xa3: {  	[sflag:s23] =	ssyncset.done $0x0  }
0xa4: {  	s25 =	simm.s32 $0x1B8E;
	s24 =	sld [smem:$0x3FFE];
	[sflag:s23] =	ssyncadd.s32 $0xFFFFFFFF  }
0xa5: {  	s26 =	simm.s32 $execute0_lowered;
	[smem:$0x3FD2] =	sst s25  }
0xa6: {  	s4 =	sshll.u32 s26, $0x1;
	_ =	strace $0x80000046;
	[dreg:$0x1] =	wrdreg $0xFFFFFFFF  }
0xa7: {  	s28 =	simm.s32 $_size_execute0_lowered;
	s2 =	sadd.s32 s2, s4;
	[dreg:$0x0] =	wrdreg $0x0  }
0xa8: {  	s4 =	sshll.u32 s28, $0x1;
	[dreg:$0x2] =	wrdreg s2  }
0xa9: {  	[dreg:$0x3] =	wrdreg s4  }
0xaa: {  	[dreg:$0x4] =	wrdreg $0xC0  }
0xab: {  	_ =	task [dreg:s6], $0x5FFFF  }
0xac: {  	[dreg:$0x1] =	wrdreg $0xFFFFFFFF  }
0xad: {  	[dreg:$0x0] =	wrdreg $0x60  }
0xae: {  	[dreg:$0x2] =	wrdreg s24  }
0xaf: {  	[dreg:$0x3] =	wrdreg $0x2AF80  }
0xb0: {  	[dreg:$0x4] =	wrdreg $0x9  }
0xb1: {  	_ =	task.clear_ibuf [dreg:s6], $0x5FFFF;
	_ =	strace $0x90000046  }
0xb2: {  	s29 =	simm.s32 $0x9;
	_ =	strace $0x80000048  }
0xb3: {  	_ =	swait.ge [sflag:s29], $0x1  }
0xb4: {  	[sflag:s29] =	ssyncadd.s32 $0xFFFFFFFF  }
0xb5: {  	_ =	strace $0x90000048  }
0xb6: {  	_ =	sfence  }
0xb7: {  	s30 =	sld [smem:$0x0];
	_ =	sdelay $0x2  }
0xb8: {  	s31 =	sshll.u32 s1, $0xD;
	s1 =	sshrl.u32 s1, $0x2  }
0xb9: {  	s3 =	sand.u32 $0x4000, s31;
	s1 =	sadd.s32 s1, s30  }
0xba: {  	s0 =	sor.u32 s3, s0;
	s1 =	sshll.u32 s1, $0x11  }
0xbb: {  	s0 =	sor.u32 s1, s0  }
0xbc: {  	s0 =	sadd.s32 $0x8F2B, s0  }
0xbd: {  	[sflag:s0] =	ssyncadd.remote.s32 $0x1  }
0xbe: {  	_ =	sfence.sel $0xFFFF  }
0xbf: {  	[dreg:$0x0] =	wrdreg $0xFFFFFFFF;
	(pc) =	sbr.abs _section_cstart, $3  }
0xc0: {  	[dreg:$0x1] =	wrdreg $0xFFFFFFFF  }
0xc1: {  	_ =	task.clear_ibuf [dreg:s6], $0x2FFFF;
	_ =	strace $0x9FFFFFFF  }
0xc2: {  	(tm) =	ssettm $0x7FFFFFFF  }
0xc3: {  	_ =	shalt  }
tec
execute0_lowered:
.L_overlay_start_1:
0x0: {  	(tag) =	ssettag $0x1  }
0x1: {  	s0 =	srdreg.scid  }
0x2: {  	s23 =	sand.u32 $0x1, s0  }
0x3: {  	s0 =	stileid.u32;
	s1 =	sshll.u32 s23, $0x4  }
0x4: {  	s1 =	sor.u32 s0, s1  }
0x5: {  	s22 =	rddreg [dreg:$0x0];
	s4 =	smul.u32 $0x2710, s1  }
0x6: {  	s2 =	rddreg [dreg:$0x1];
	s3 =	simm.s32 $0x0  }
0x7: {  	[smem:$0x7FF] =	sst s3;
	s4 =	sshrl.u32 s4, $0x3  }
0x8: {  	s1 =	rddreg [dreg:$0x2];
	s4 =	sadd.s32 s22, s4  }
0x9: {  	_ =	strace $0x80000047;
	s5 =	sadd.s32 $0xB440, s4;
	s4 =	simm.s32 $0x3  }
0xa: {  	[tilespmem:s3], [sflag:$0x3] =	stream.linear.gather [hbm4b:s5+s3], $0x2710, $0x38;
	[tilespmem:$0x2D78] =	vst v63  }
0xb: {  	_ =	swait.ge [sflag:s4], $0x2710  }
0xc: {  	s7 =	simm.s32 $0x2710;
	s6 =	sadd.s32 $0x15800, s22;
	[sflag:s4] =	ssyncset.done $0x0  }
0xd: {  	s24 =	smul.u32 $0x280, s0;
	s9 =	sshll.u32 s0, $0x6;
	[sflag:s4] =	ssyncadd.s32 $0xFFFFD8F0  }
0xe: {  	[tilespmem:s7], [sflag:$0x3] =	stream.linear.gather [hbm4b:s6+s3], $0x3E8, $0x38;
	[tilespmem:$0x2D78] =	vst v63  }
0xf: {  	s9 =	sor.u32 $0x1C03, s9;
	s8 =	sshrl.u32 s24, $0x3;
	_ =	swait.ge [sflag:s4], $0x3E8  }
0x10: {  	s10 =	sadd.s32 s24, s2;
	s8 =	sadd.s32 s8, s22;
	[sflag:s4] =	ssyncset.done $0x0  }
0x11: {  	s10 =	sshrl.u32 s10, $0x3;
	s8 =	sadd.s32 $0x15200, s8;
	[sflag:s4] =	ssyncadd.s32 $0xFFFFFC18  }
0x12: {  	[spmem:s10], [sflag:s9] =	dma.local [hbm:s8], $0x50  }
0x13: {  	_ =	swait.ge [sflag:s4], $0x50  }
0x14: {  	[sflag:s4] =	ssyncset.done $0x0  }
0x15: {  	[sflag:s4] =	ssyncadd.s32 $0xFFFFFFB0  }
0x16: {  	s11 =	simm.s32 $0x3E8;
	[bflag:$0x0] =	sbarrier.arrive $0xFFFF  }
0x17: {  	[spmem:s2] =	stream.indirect.scatter.add.f32 [tilespmem:s7], [sflag:$0x1], $0x1, s3, s11, $0xb8;
	[tilespmem:$0x2D78] =	vst v63  }
0x18: {  	s12 =	simm.s32 $0x1  }
0x19: {  	[spmem:s2] =	stream.indirect.scatter.add.f32 [tilespmem:s7], [sflag:$0x2], $0x1, s11, s11, $0xb8;
	[tilespmem:$0x2D78] =	vst v63  }
0x1a: {  	_ =	swait.ge [sflag:s12], $0x3E8  }
0x1b: {  	[sflag:s12] =	ssyncset.done $0x0  }
0x1c: {  	s13 =	simm.s32 $0x7D0;
	s14 =	simm.s32 $0x2;
	[sflag:s12] =	ssyncadd.s32 $0xFFFFFC18  }
0x1d: {  	[spmem:s2] =	stream.indirect.scatter.add.f32 [tilespmem:s7], [sflag:$0x1], $0x1, s13, s11, $0xb8;
	[tilespmem:$0x2D78] =	vst v63  }
0x1e: {  	_ =	swait.ge [sflag:s14], $0x3E8  }
0x1f: {  	[sflag:s14] =	ssyncset.done $0x0  }
0x20: {  	s15 =	simm.s32 $0xBB8;
	[sflag:s14] =	ssyncadd.s32 $0xFFFFFC18  }
0x21: {  	[spmem:s2] =	stream.indirect.scatter.add.f32 [tilespmem:s7], [sflag:$0x2], $0x1, s15, s11, $0xb8;
	[tilespmem:$0x2D78] =	vst v63  }
0x22: {  	_ =	swait.ge [sflag:s12], $0x3E8  }
0x23: {  	[sflag:s12] =	ssyncset.done $0x0  }
0x24: {  	s16 =	simm.s32 $0xFA0;
	[sflag:s12] =	ssyncadd.s32 $0xFFFFFC18  }
0x25: {  	[spmem:s2] =	stream.indirect.scatter.add.f32 [tilespmem:s7], [sflag:$0x1], $0x1, s16, s11, $0xb8;
	[tilespmem:$0x2D78] =	vst v63  }
0x26: {  	_ =	swait.ge [sflag:s14], $0x3E8  }
0x27: {  	[sflag:s14] =	ssyncset.done $0x0  }
0x28: {  	s17 =	simm.s32 $0x1388;
	[sflag:s14] =	ssyncadd.s32 $0xFFFFFC18  }
0x29: {  	[spmem:s2] =	stream.indirect.scatter.add.f32 [tilespmem:s7], [sflag:$0x2], $0x1, s17, s11, $0xb8;
	[tilespmem:$0x2D78] =	vst v63  }
0x2a: {  	_ =	swait.ge [sflag:s12], $0x3E8  }
0x2b: {  	[sflag:s12] =	ssyncset.done $0x0  }
0x2c: {  	s18 =	simm.s32 $0x1770;
	[sflag:s12] =	ssyncadd.s32 $0xFFFFFC18  }
0x2d: {  	[spmem:s2] =	stream.indirect.scatter.add.f32 [tilespmem:s7], [sflag:$0x1], $0x1, s18, s11, $0xb8;
	[tilespmem:$0x2D78] =	vst v63  }
0x2e: {  	_ =	swait.ge [sflag:s14], $0x3E8  }
0x2f: {  	[sflag:s14] =	ssyncset.done $0x0  }
0x30: {  	s19 =	simm.s32 $0x1B58;
	[sflag:s14] =	ssyncadd.s32 $0xFFFFFC18  }
0x31: {  	[spmem:s2] =	stream.indirect.scatter.add.f32 [tilespmem:s7], [sflag:$0x2], $0x1, s19, s11, $0xb8;
	[tilespmem:$0x2D78] =	vst v63  }
0x32: {  	_ =	swait.ge [sflag:s12], $0x3E8  }
0x33: {  	[sflag:s12] =	ssyncset.done $0x0  }
0x34: {  	s20 =	simm.s32 $0x1F40;
	[sflag:s12] =	ssyncadd.s32 $0xFFFFFC18  }
0x35: {  	[spmem:s2] =	stream.indirect.scatter.add.f32 [tilespmem:s7], [sflag:$0x1], $0x1, s20, s11, $0xb8;
	[tilespmem:$0x2D78] =	vst v63  }
0x36: {  	_ =	swait.ge [sflag:s14], $0x3E8  }
0x37: {  	[sflag:s14] =	ssyncset.done $0x0  }
0x38: {  	s21 =	simm.s32 $0x2328;
	[sflag:s14] =	ssyncadd.s32 $0xFFFFFC18  }
0x39: {  	[spmem:s2] =	stream.indirect.scatter.add.f32 [tilespmem:s7], [sflag:$0x2], $0x1, s21, s11, $0xb8;
	[tilespmem:$0x2D78] =	vst v63  }
0x3a: {  	s25 =	smul.u32 $0x2800, s23;
	s23 =	ssub.s32 $0x2, s23;
	_ =	swait.ge [sflag:s12], $0x3E8  }
0x3b: {  	s31 =	sshrl.u32 s23, $0x1;
	[sflag:s12] =	ssyncset.done $0x0  }
0x3c: {  	s23 =	ssub.s32 s23, s31;
	[sflag:s12] =	ssyncadd.s32 $0xFFFFFC18  }
0x3d: {  	s24 =	sadd.s32 s24, s25;
	s23 =	smax.u32 s23, $0x1;
	_ =	swait.ge [sflag:s14], $0x3E8  }
0x3e: {  	s24 =	sshrl.u32 s24, $0x3;
	p0 =	sne.s32 s23, $0x1;
	[sflag:s14] =	ssyncset.done $0x0  }
.Ltmp0:
0x3f: {  	s22 =	sadd.s32 s24, s22;
	[sflag:s14] =	ssyncadd.s32 $0xFFFFFC18;
	(pc) =	sbr.rel @!p0 .LBB2_2-.Ltmp0, $4  }
0x40: {  	s22 =	sadd.s32 $0x15A00, s22;
	[bflag:$0x0] =	sbarrier.arrive $0xFFFF  }
0x41: {  	[hbm:s22], [sflag:s9] =	dma.local [spmem:s10], $0x50  }
0x42: {  	_ =	swait.ge [sflag:s4], $0x50  }
0x43: {  	s23 =	sadd.s32 $0xFFFFFFFF, s23;
	[sflag:s4] =	ssyncset.done $0x0  }
.LBB2_1:
0x44: {  	p0 =	sne.s32 s23, $0x1;
	s23 =	sadd.s32 $0xFFFFFFFF, s23;
	[sflag:s4] =	ssyncadd.s32 $0xFFFFFFB0  }
0x45: {  	[tilespmem:s3], [sflag:$0x3] =	stream.linear.gather [hbm4b:s5+s3], $0x2710, $0x38;
	[tilespmem:$0x2D78] =	vst v63  }
0x46: {  	_ =	swait.ge [sflag:s4], $0x2710  }
0x47: {  	[sflag:s4] =	ssyncset.done $0x0  }
0x48: {  	[sflag:s4] =	ssyncadd.s32 $0xFFFFD8F0  }
0x49: {  	[tilespmem:s7], [sflag:$0x3] =	stream.linear.gather [hbm4b:s6+s3], $0x3E8, $0x38;
	[tilespmem:$0x2D78] =	vst v63  }
0x4a: {  	_ =	swait.ge [sflag:s4], $0x3E8  }
0x4b: {  	[sflag:s4] =	ssyncset.done $0x0  }
0x4c: {  	[sflag:s4] =	ssyncadd.s32 $0xFFFFFC18  }
0x4d: {  	[spmem:s10], [sflag:s9] =	dma.local [hbm:s8], $0x50  }
0x4e: {  	_ =	swait.ge [sflag:s4], $0x50  }
0x4f: {  	[sflag:s4] =	ssyncset.done $0x0  }
0x50: {  	[sflag:s4] =	ssyncadd.s32 $0xFFFFFFB0  }
0x51: {  	[bflag:$0x0] =	sbarrier.arrive $0xFFFF  }
0x52: {  	[spmem:s2] =	stream.indirect.scatter.add.f32 [tilespmem:s7], [sflag:$0x1], $0x1, s3, s11, $0xb8;
	[tilespmem:$0x2D78] =	vst v63  }
0x53: {  	_ = 	snop  }
0x54: {  	[spmem:s2] =	stream.indirect.scatter.add.f32 [tilespmem:s7], [sflag:$0x2], $0x1, s11, s11, $0xb8;
	[tilespmem:$0x2D78] =	vst v63  }
0x55: {  	_ =	swait.ge [sflag:s12], $0x3E8  }
0x56: {  	[sflag:s12] =	ssyncset.done $0x0  }
0x57: {  	[sflag:s12] =	ssyncadd.s32 $0xFFFFFC18  }
0x58: {  	[spmem:s2] =	stream.indirect.scatter.add.f32 [tilespmem:s7], [sflag:$0x1], $0x1, s13, s11, $0xb8;
	[tilespmem:$0x2D78] =	vst v63  }
0x59: {  	_ =	swait.ge [sflag:s14], $0x3E8  }
0x5a: {  	[sflag:s14] =	ssyncset.done $0x0  }
0x5b: {  	[sflag:s14] =	ssyncadd.s32 $0xFFFFFC18  }
0x5c: {  	[spmem:s2] =	stream.indirect.scatter.add.f32 [tilespmem:s7], [sflag:$0x2], $0x1, s15, s11, $0xb8;
	[tilespmem:$0x2D78] =	vst v63  }
0x5d: {  	_ =	swait.ge [sflag:s12], $0x3E8  }
0x5e: {  	[sflag:s12] =	ssyncset.done $0x0  }
0x5f: {  	[sflag:s12] =	ssyncadd.s32 $0xFFFFFC18  }
0x60: {  	[spmem:s2] =	stream.indirect.scatter.add.f32 [tilespmem:s7], [sflag:$0x1], $0x1, s16, s11, $0xb8;
	[tilespmem:$0x2D78] =	vst v63  }
0x61: {  	_ =	swait.ge [sflag:s14], $0x3E8  }
0x62: {  	[sflag:s14] =	ssyncset.done $0x0  }
0x63: {  	[sflag:s14] =	ssyncadd.s32 $0xFFFFFC18  }
0x64: {  	[spmem:s2] =	stream.indirect.scatter.add.f32 [tilespmem:s7], [sflag:$0x2], $0x1, s17, s11, $0xb8;
	[tilespmem:$0x2D78] =	vst v63  }
0x65: {  	_ =	swait.ge [sflag:s12], $0x3E8  }
0x66: {  	[sflag:s12] =	ssyncset.done $0x0  }
0x67: {  	[sflag:s12] =	ssyncadd.s32 $0xFFFFFC18  }
0x68: {  	[spmem:s2] =	stream.indirect.scatter.add.f32 [tilespmem:s7], [sflag:$0x1], $0x1, s18, s11, $0xb8;
	[tilespmem:$0x2D78] =	vst v63  }
0x69: {  	_ =	swait.ge [sflag:s14], $0x3E8  }
0x6a: {  	[sflag:s14] =	ssyncset.done $0x0  }
0x6b: {  	[sflag:s14] =	ssyncadd.s32 $0xFFFFFC18  }
0x6c: {  	[spmem:s2] =	stream.indirect.scatter.add.f32 [tilespmem:s7], [sflag:$0x2], $0x1, s19, s11, $0xb8;
	[tilespmem:$0x2D78] =	vst v63  }
0x6d: {  	_ =	swait.ge [sflag:s12], $0x3E8  }
0x6e: {  	[sflag:s12] =	ssyncset.done $0x0  }
0x6f: {  	[sflag:s12] =	ssyncadd.s32 $0xFFFFFC18  }
0x70: {  	[spmem:s2] =	stream.indirect.scatter.add.f32 [tilespmem:s7], [sflag:$0x1], $0x1, s20, s11, $0xb8;
	[tilespmem:$0x2D78] =	vst v63  }
0x71: {  	_ =	swait.ge [sflag:s14], $0x3E8  }
0x72: {  	[sflag:s14] =	ssyncset.done $0x0  }
0x73: {  	[sflag:s14] =	ssyncadd.s32 $0xFFFFFC18  }
0x74: {  	[spmem:s2] =	stream.indirect.scatter.add.f32 [tilespmem:s7], [sflag:$0x2], $0x1, s21, s11, $0xb8;
	[tilespmem:$0x2D78] =	vst v63  }
0x75: {  	_ =	swait.ge [sflag:s12], $0x3E8  }
0x76: {  	[sflag:s12] =	ssyncset.done $0x0  }
0x77: {  	[sflag:s12] =	ssyncadd.s32 $0xFFFFFC18  }
0x78: {  	_ =	swait.ge [sflag:s14], $0x3E8  }
0x79: {  	[sflag:s14] =	ssyncset.done $0x0  }
.Ltmp1:
0x7a: {  	[sflag:s14] =	ssyncadd.s32 $0xFFFFFC18;
	(pc) =	sbr.rel @p0 .LBB2_1-.Ltmp1, $4  }
0x7b: {  	[bflag:$0x0] =	sbarrier.arrive $0xFFFF  }
0x7c: {  	[hbm:s22], [sflag:s9] =	dma.local [spmem:s10], $0x50  }
0x7d: {  	_ =	swait.ge [sflag:s4], $0x50  }
0x7e: {  	[sflag:s4] =	ssyncset.done $0x0  }
.LBB2_2:
0x7f: {  	[sflag:s4] =	ssyncadd.s32 $0xFFFFFFB0  }
0x80: {  	_ =	sfence.sel $0x180000  }
0x81: {  	[bflag:$0x0] =	sbarrier.arrive $0xFFFF  }
0x82: {  	p0 =	sne.s32 s0, $0x0;
	_ =	strace $0x90000047  }
0x83: {  	s0 =	sadd.s32 @!p0 $0x100000, s1;
	[bflag:$0x2] =	sbarrier.arrive $0xFFFF  }
0x84: {  	[sflag:s0] =	ssyncadd.tile.s32 @!p0 $0x1;
	_ =	shalt  }
.Lfunc_end2:
_tile_overlayer_lowered:
.L_overlay_start_2:
0x85: {  	(tag) =	ssettag $0x2  }
0x86: {  	s0 =	rddreg [dreg:$0x0];
	s2 =	stileid.u32  }
0x87: {  	s1 =	rddreg [dreg:$0x1];
	p0 =	sne.s32 s2, $0x0  }
0x88: {  	s3 =	rddreg [dreg:$0x2];
	[bflag:$0x3] =	sbarrier.arrive $0xFFFF;
	s2 =	simm.s32 @!p0 $0x1C03  }
0x89: {  	[timem:s3], [sflag:s2] =	dma.local @!p0 [hbm:s0], s1  }
0x8a: {  	s0 =	simm.s32 @!p0 $0x3  }
0x8b: {  	_ =	swait.ge @!p0 [sflag:s0], s1  }
0x8c: {  	s1 =	ssub.s32 @!p0 $0x0, s1;
	[sflag:s0] =	ssyncset.done @!p0 $0x0  }
0x8d: {  	[sflag:s0] =	ssyncadd.s32 @!p0 s1  }
0x8e: {  	[bflag:$0x3] =	sbarrier.arrive $0xFFFF  }
0x8f: {  	_ =	shalt  }

</sc_bundles>
